<compile_context>
chip_gen: v7x
topology: tpu7x:2x2x1
jax: 0.10.2.dev20260603
libtpu: 0.0.44.dev20260713+nightly
codegen_flags: <defaults>
</compile_context>

<pallas_src>
import jax
import jax.numpy as jnp
from jax import lax
from jax.experimental import pallas as pl
from jax.experimental.pallas import tpu as pltpu
from jax.experimental.pallas import tpu_sc as plsc

N_NODES = 10000
N_EDGES = 320000
D = 128

NC = 2
NS = 16
NW = NC * NS
CHUNK = 80
HALVES = 2
CPH = 64
EPW = HALVES * CPH * CHUNK
E_PAD = NW * EPW
N_DUMP = 240
AGG_ROWS = N_NODES + N_DUMP
IO_TILES = 10
ROWS_PT = 1024
OUT_PT = N_NODES // IO_TILES
CNT_PAD = 10240
CNT_PT = CNT_PAD // IO_TILES


def _make_segsum(with_cnt):
    def body(x_hbm, src_hbm, dst_hbm, *refs):
        if with_cnt:
            (out_agg, out_cnt, idx_s, idx_d, rows0, rows1, ones_v, zbuf,
             zcbuf, agg_sh, cnt_sh, sem_g, sem_s, sem_c) = refs
        else:
            (out_agg, idx_s, idx_d, rows0, rows1, zbuf, agg_sh,
             sem_g, sem_s) = refs

        c = lax.axis_index("c")
        s = lax.axis_index("s")
        wid = s * NC + c
        zero16 = jnp.zeros((16,), jnp.float32)

        def zrow(i, carry):
            for k in range(8):
                zbuf[i, pl.ds(16 * k, 16)] = zero16
            return carry
        lax.fori_loop(0, zbuf.shape[0], zrow, 0)

        if with_cnt:
            def zc(i, carry):
                zcbuf[pl.ds(i * 16, 16)] = zero16
                return carry
            lax.fori_loop(0, zcbuf.shape[0] // 16, zc, 0)
            one16 = jnp.ones((16,), jnp.float32)
            for k in range(CHUNK // 16):
                ones_v[pl.ds(16 * k, 16)] = one16

        @pl.when(s < IO_TILES)
        def _():
            def zcopy(k, carry):
                pltpu.sync_copy(zbuf, agg_sh.at[pl.ds(s * ROWS_PT + k * 16, 16)])
                return carry
            lax.fori_loop(0, ROWS_PT // 16, zcopy, 0)
            if with_cnt:
                pltpu.sync_copy(zcbuf, cnt_sh.at[pl.ds(s * CNT_PT, CNT_PT)])

        plsc.subcore_barrier()

        def gather(idx_row, dst_ref):
            pltpu.async_copy(x_hbm.at[idx_row], dst_ref, sem_g)

        def gwait(idx_row, dst_ref):
            pltpu.make_async_copy(x_hbm.at[idx_row], dst_ref, sem_g).wait()

        def scat(j, rows_ref):
            di = idx_d.at[j]
            pltpu.async_copy(rows_ref, agg_sh.at[di], sem_s, add=True)
            if with_cnt:
                pltpu.async_copy(ones_v, cnt_sh.at[di], sem_c, add=True)

        def swait(rows_ref, idx_row):
            pltpu.make_async_copy(x_hbm.at[idx_row], rows_ref, sem_s).wait()
            if with_cnt:
                pltpu.make_async_copy(x_hbm.at[0, pl.ds(0, CHUNK)], ones_v,
                                      sem_c).wait()

        for h in range(HALVES):
            pltpu.sync_copy(src_hbm.at[wid, h], idx_s)
            pltpu.sync_copy(dst_hbm.at[wid, h], idx_d)
            gather(idx_s.at[0], rows0)

            def pair(i, carry):
                j0 = 2 * i
                gwait(idx_s.at[j0], rows0)

                @pl.when(i > 0)
                def _():
                    swait(rows1, idx_s.at[0])
                gather(idx_s.at[j0 + 1], rows1)
                scat(j0, rows0)
                gwait(idx_s.at[j0 + 1], rows1)
                swait(rows0, idx_s.at[0])

                @pl.when(i < CPH // 2 - 1)
                def _():
                    gather(idx_s.at[j0 + 2], rows0)
                scat(j0 + 1, rows1)
                return carry
            lax.fori_loop(0, CPH // 2, pair, 0)
            swait(rows1, idx_s.at[0])

        plsc.subcore_barrier()

        @pl.when(s < IO_TILES)
        def _():
            pltpu.sync_copy(agg_sh.at[pl.ds(s * OUT_PT, OUT_PT)],
                            out_agg.at[c, pl.ds(s * OUT_PT, OUT_PT)])
            if with_cnt:
                pltpu.sync_copy(cnt_sh.at[pl.ds(s * CNT_PT, CNT_PT)],
                                out_cnt.at[pl.ds(c * CNT_PAD + s * CNT_PT, CNT_PT)])

    out_type = [jax.ShapeDtypeStruct((NC, N_NODES, D), jnp.float32)]
    scratch = [
        pltpu.VMEM((CPH, CHUNK), jnp.int32),
        pltpu.VMEM((CPH, CHUNK), jnp.int32),
        pltpu.VMEM((CHUNK, D), jnp.float32),
        pltpu.VMEM((CHUNK, D), jnp.float32),
    ]
    if with_cnt:
        out_type.append(jax.ShapeDtypeStruct((NC * CNT_PAD,), jnp.float32))
        scratch.append(pltpu.VMEM((CHUNK,), jnp.float32))
    scratch.append(pltpu.VMEM((16, D), jnp.float32))
    if with_cnt:
        scratch.append(pltpu.VMEM((CNT_PT,), jnp.float32))
    scratch.append(pltpu.VMEM_SHARED((AGG_ROWS, D), jnp.float32))
    if with_cnt:
        scratch.append(pltpu.VMEM_SHARED((CNT_PAD,), jnp.float32))
    scratch.append(pltpu.SemaphoreType.DMA)
    scratch.append(pltpu.SemaphoreType.DMA)
    if with_cnt:
        scratch.append(pltpu.SemaphoreType.DMA)

    return pl.kernel(
        body,
        mesh=plsc.VectorSubcoreMesh(core_axis_name="c", subcore_axis_name="s"),
        out_type=out_type,
        scratch_types=scratch,
    )


_segsum_cnt = _make_segsum(True)
_segsum_nocnt = _make_segsum(False)


BN = 1000


def _tc1_body(aggp_ref, cntT_ref, x_ref, wlT_ref, wrT_ref, bl_ref, out_ref):
    a = aggp_ref[0] + aggp_ref[1]
    cnt = cntT_ref[:, 0:1] + cntT_ref[:, 1:2]
    mean = a / jnp.maximum(cnt, 1.0)
    h = (jnp.dot(mean, wlT_ref[...], preferred_element_type=jnp.float32)
         + bl_ref[...]
         + jnp.dot(x_ref[...], wrT_ref[...], preferred_element_type=jnp.float32))
    out_ref[...] = jnp.maximum(h, 0.0)


def _tc2_body(aggp_ref, cntT_ref, h_ref, wlT_ref, wrT_ref, bl_ref, out_ref):
    a = aggp_ref[0] + aggp_ref[1]
    cnt = cntT_ref[:, 0:1] + cntT_ref[:, 1:2]
    mean = a / jnp.maximum(cnt, 1.0)
    h2 = (jnp.dot(mean, wlT_ref[...], preferred_element_type=jnp.float32)
          + bl_ref[...]
          + jnp.dot(h_ref[...], wrT_ref[...], preferred_element_type=jnp.float32))
    nrm = jnp.sqrt(jnp.sum(h2 * h2, axis=1, keepdims=True))
    out_ref[...] = h2 / jnp.maximum(nrm, 1e-12)


def _tc_call(body):
    return pl.pallas_call(
        body,
        grid=(N_NODES // BN,),
        in_specs=[
            pl.BlockSpec((NC, BN, D), lambda i: (0, i, 0)),
            pl.BlockSpec((BN, NC), lambda i: (i, 0)),
            pl.BlockSpec((BN, D), lambda i: (i, 0)),
            pl.BlockSpec((D, D), lambda i: (0, 0)),
            pl.BlockSpec((D, D), lambda i: (0, 0)),
            pl.BlockSpec((1, D), lambda i: (0, 0)),
        ],
        out_specs=pl.BlockSpec((BN, D), lambda i: (i, 0)),
        out_shape=jax.ShapeDtypeStruct((N_NODES, D), jnp.float32),
    )


_tc1 = _tc_call(_tc1_body)
_tc2 = _tc_call(_tc2_body)


def kernel(x, edge_index, Wl1, bl1, Wr1, Wl2, bl2, Wr2):
    ei = edge_index.astype(jnp.int32)
    n_pad = E_PAD - N_EDGES
    pad_iota = jnp.arange(n_pad, dtype=jnp.int32)
    pad_src = (pad_iota * 37) % N_NODES
    pad_dst = N_NODES + pad_iota % N_DUMP
    src4 = jnp.concatenate([ei[0], pad_src]).reshape(NW, HALVES, CPH, CHUNK)
    dst4 = jnp.concatenate([ei[1], pad_dst]).reshape(NW, HALVES, CPH, CHUNK)

    aggp1, cntp = _segsum_cnt(x, src4, dst4)
    cntT = cntp.reshape(NC, CNT_PAD)[:, :N_NODES].T
    h = _tc1(aggp1, cntT, x, Wl1.T, Wr1.T, bl1.reshape(1, D))
    aggp2 = _segsum_nocnt(h, src4, dst4)[0]
    return _tc2(aggp2, cntT, h, Wl2.T, Wr2.T, bl2.reshape(1, D))

# --- scband reference (transcript-rebuilt; emitter-appended) ---
"""Pipeline reference for scband-sage-87101936762934 (READ-ONLY COPY).

The authoritative reference and input builder live on the scoring server;
editing this copy changes nothing except your own understanding.
"""

import jax, jax.numpy as jnp
import numpy as np

N_NODES = 10000
N_EDGES = 320000
D_IN = 128
D_HID = 128
D_OUT = 128


def _sage_conv(x, edge_index, W_l, b_l, W_r):
    # PyG SAGEConv with mean aggregation and root weight:
    # out = lin_l(mean_{j in N(i)} x_j) + lin_r(x_i)
    src = edge_index[0]
    dst = edge_index[1]
    msg = x[src]
    agg = jax.ops.segment_sum(msg, dst, num_segments=N_NODES)
    cnt = jax.ops.segment_sum(jnp.ones((msg.shape[0],), dtype=x.dtype), dst, num_segments=N_NODES)
    mean_agg = agg / jnp.maximum(cnt, 1.0)[:, None]
    return mean_agg @ W_l.T + b_l + x @ W_r.T


def setup_inputs(seed: int = 0) -> dict:
    key = jax.random.key(seed)
    ks = jax.random.split(key, 8)
    x = jax.random.normal(ks[0], (N_NODES, D_IN), dtype=jnp.float32)
    edge_index = jax.random.randint(ks[1], (2, N_EDGES), 0, N_NODES, dtype=jnp.int64)
    Wl1 = jax.random.normal(ks[2], (D_HID, D_IN), dtype=jnp.float32) * 0.05
    bl1 = jnp.zeros((D_HID,), dtype=jnp.float32)
    Wr1 = jax.random.normal(ks[3], (D_HID, D_IN), dtype=jnp.float32) * 0.05
    Wl2 = jax.random.normal(ks[4], (D_OUT, D_HID), dtype=jnp.float32) * 0.05
    bl2 = jnp.zeros((D_OUT,), dtype=jnp.float32)
    Wr2 = jax.random.normal(ks[5], (D_OUT, D_HID), dtype=jnp.float32) * 0.05
    return {"x": x, "edge_index": edge_index, "Wl1": Wl1, "bl1": bl1, "Wr1": Wr1,
            "Wl2": Wl2, "bl2": bl2, "Wr2": Wr2}


def reference(x, edge_index, Wl1, bl1, Wr1, Wl2, bl2, Wr2):
    # layer_num=2: conv_first -> relu -> (dropout is identity in eval) -> conv_out -> l2 normalize
    h = _sage_conv(x, edge_index, Wl1, bl1, Wr1)
    h = jax.nn.relu(h)
    h = _sage_conv(h, edge_index, Wl2, bl2, Wr2)
    norm = jnp.maximum(jnp.linalg.norm(h, axis=-1, keepdims=True), 1e-12)
    return h / norm

if __name__ == "__main__":
    import jax
    _d = setup_inputs()
    print(jax.jit(kernel)(*tuple(_d.values())))

</pallas_src>

<mosaic_0001>
#map = affine_map<(d0, d1) -> (0, 0)>
#map1 = affine_map<(d0, d1) -> (0, 0, 0, 0)>
#map2 = affine_map<(d0, d1) -> (0, 0, 0)>
#map3 = affine_map<(d0, d1) -> (0)>
module attributes {stable_mosaic.version = 14 : i64} {
  func.func @body(%arg0: i32, %arg1: i32, %arg2: memref<10000x128xf32, #tpu.memory_space<hbm>>, %arg3: memref<32x2x64x80xi32, #tpu.memory_space<hbm>>, %arg4: memref<32x2x64x80xi32, #tpu.memory_space<hbm>>, %arg5: memref<2x10000x128xf32, #tpu.memory_space<hbm>>, %arg6: memref<20480xf32, #tpu.memory_space<hbm>>, %arg7: memref<64x80xi32, #tpu.memory_space<vmem>>, %arg8: memref<64x80xi32, #tpu.memory_space<vmem>>, %arg9: memref<80x128xf32, #tpu.memory_space<vmem>>, %arg10: memref<80x128xf32, #tpu.memory_space<vmem>>, %arg11: memref<80xf32, #tpu.memory_space<vmem>>, %arg12: memref<16x128xf32, #tpu.memory_space<vmem>>, %arg13: memref<1024xf32, #tpu.memory_space<vmem>>, %arg14: memref<10240x128xf32, #tpu.memory_space<vmem_shared>>, %arg15: memref<10240xf32, #tpu.memory_space<vmem_shared>>, %arg16: memref<!tpu.dma_semaphore, #tpu.memory_space<semaphore_mem>>, %arg17: memref<!tpu.dma_semaphore, #tpu.memory_space<semaphore_mem>>, %arg18: memref<!tpu.dma_semaphore, #tpu.memory_space<semaphore_mem>>) attributes {dimension_semantics = [#tpu.dimension_semantics<core_parallel>, #tpu.dimension_semantics<subcore_parallel>], iteration_bounds = array<i64: 2, 16>, scalar_prefetch = 0 : i64, scratch_operands = 12 : i64, tpu.core_type = #tpu.core_type<sc_vector_subcore>, window_params = [{transform_indices = #map}, {transform_indices = #map1}, {transform_indices = #map1}, {transform_indices = #map2}, {transform_indices = #map3}]} {
    %mul3A = arith.constant 2 : i32
    %mul3A_0 = arith.muli %arg1, %mul3A : i32
    %add3A = arith.addi %mul3A_0, %arg0 : i32
    %broadcast_in_dim3A = arith.constant 0.000000e+00 : f32
    %broadcast_in_dim3A_1 = vector.broadcast %broadcast_in_dim3A : f32 to vector<16xf32>
    %scan3A = arith.constant 0 : i32
    %scan3A_2 = arith.constant 0 : i32
    %scan3A_3 = arith.constant 16 : i32
    %scan3A_4 = arith.addi %scan3A_2, %scan3A_3 : i32
    %scan3A_5 = arith.constant 1 : i32
    scf.for %scan3A_97 = %scan3A_2 to %scan3A_4 step %scan3A_5  : i32 {
      %swap3A_98 = arith.index_cast %scan3A_97 : i32 to index
      %swap3A_99 = arith.constant 0 : index
      %swap3A_100 = tpu.vector_load %arg12[%swap3A_98, %swap3A_99] {strides = array<i32>} : memref<16x128xf32, #tpu.memory_space<vmem>>, vector<1x16xf32>,
      %swap3A_101 = vector.shape_cast %swap3A_100 : vector<1x16xf32> to vector<16xf32>
      %swap3A_102 = vector.shape_cast %broadcast_in_dim3A_1 : vector<16xf32> to vector<1x16xf32>
      tpu.vector_store %arg12[%swap3A_98, %swap3A_99], %swap3A_102 {strides = array<i32>} : memref<16x128xf32, #tpu.memory_space<vmem>>, vector<1x16xf32>,
      %swap3A_103 = arith.index_cast %scan3A_97 : i32 to index
      %swap3A_104 = arith.constant 16 : index
      %swap3A_105 = tpu.vector_load %arg12[%swap3A_103, %swap3A_104] {strides = array<i32>} : memref<16x128xf32, #tpu.memory_space<vmem>>, vector<1x16xf32>,
      %swap3A_106 = vector.shape_cast %swap3A_105 : vector<1x16xf32> to vector<16xf32>
      %swap3A_107 = vector.shape_cast %broadcast_in_dim3A_1 : vector<16xf32> to vector<1x16xf32>
      tpu.vector_store %arg12[%swap3A_103, %swap3A_104], %swap3A_107 {strides = array<i32>} : memref<16x128xf32, #tpu.memory_space<vmem>>, vector<1x16xf32>,
      %swap3A_108 = arith.index_cast %scan3A_97 : i32 to index
      %swap3A_109 = arith.constant 32 : index
      %swap3A_110 = tpu.vector_load %arg12[%swap3A_108, %swap3A_109] {strides = array<i32>} : memref<16x128xf32, #tpu.memory_space<vmem>>, vector<1x16xf32>,
      %swap3A_111 = vector.shape_cast %swap3A_110 : vector<1x16xf32> to vector<16xf32>
      %swap3A_112 = vector.shape_cast %broadcast_in_dim3A_1 : vector<16xf32> to vector<1x16xf32>
      tpu.vector_store %arg12[%swap3A_108, %swap3A_109], %swap3A_112 {strides = array<i32>} : memref<16x128xf32, #tpu.memory_space<vmem>>, vector<1x16xf32>,
      %swap3A_113 = arith.index_cast %scan3A_97 : i32 to index
      %swap3A_114 = arith.constant 48 : index
      %swap3A_115 = tpu.vector_load %arg12[%swap3A_113, %swap3A_114] {strides = array<i32>} : memref<16x128xf32, #tpu.memory_space<vmem>>, vector<1x16xf32>,
      %swap3A_116 = vector.shape_cast %swap3A_115 : vector<1x16xf32> to vector<16xf32>
      %swap3A_117 = vector.shape_cast %broadcast_in_dim3A_1 : vector<16xf32> to vector<1x16xf32>
      tpu.vector_store %arg12[%swap3A_113, %swap3A_114], %swap3A_117 {strides = array<i32>} : memref<16x128xf32, #tpu.memory_space<vmem>>, vector<1x16xf32>,
      %swap3A_118 = arith.index_cast %scan3A_97 : i32 to index
      %swap3A_119 = arith.constant 64 : index
      %swap3A_120 = tpu.vector_load %arg12[%swap3A_118, %swap3A_119] {strides = array<i32>} : memref<16x128xf32, #tpu.memory_space<vmem>>, vector<1x16xf32>,
      %swap3A_121 = vector.shape_cast %swap3A_120 : vector<1x16xf32> to vector<16xf32>
      %swap3A_122 = vector.shape_cast %broadcast_in_dim3A_1 : vector<16xf32> to vector<1x16xf32>
      tpu.vector_store %arg12[%swap3A_118, %swap3A_119], %swap3A_122 {strides = array<i32>} : memref<16x128xf32, #tpu.memory_space<vmem>>, vector<1x16xf32>,
      %swap3A_123 = arith.index_cast %scan3A_97 : i32 to index
      %swap3A_124 = arith.constant 80 : index
      %swap3A_125 = tpu.vector_load %arg12[%swap3A_123, %swap3A_124] {strides = array<i32>} : memref<16x128xf32, #tpu.memory_space<vmem>>, vector<1x16xf32>,
      %swap3A_126 = vector.shape_cast %swap3A_125 : vector<1x16xf32> to vector<16xf32>
      %swap3A_127 = vector.shape_cast %broadcast_in_dim3A_1 : vector<16xf32> to vector<1x16xf32>
      tpu.vector_store %arg12[%swap3A_123, %swap3A_124], %swap3A_127 {strides = array<i32>} : memref<16x128xf32, #tpu.memory_space<vmem>>, vector<1x16xf32>,
      %swap3A_128 = arith.index_cast %scan3A_97 : i32 to index
      %swap3A_129 = arith.constant 96 : index
      %swap3A_130 = tpu.vector_load %arg12[%swap3A_128, %swap3A_129] {strides = array<i32>} : memref<16x128xf32, #tpu.memory_space<vmem>>, vector<1x16xf32>,
      %swap3A_131 = vector.shape_cast %swap3A_130 : vector<1x16xf32> to vector<16xf32>
      %swap3A_132 = vector.shape_cast %broadcast_in_dim3A_1 : vector<16xf32> to vector<1x16xf32>
      tpu.vector_store %arg12[%swap3A_128, %swap3A_129], %swap3A_132 {strides = array<i32>} : memref<16x128xf32, #tpu.memory_space<vmem>>, vector<1x16xf32>,
      %swap3A_133 = arith.index_cast %scan3A_97 : i32 to index
      %swap3A_134 = arith.constant 112 : index
      %swap3A_135 = tpu.vector_load %arg12[%swap3A_133, %swap3A_134] {strides = array<i32>} : memref<16x128xf32, #tpu.memory_space<vmem>>, vector<1x16xf32>,
      %swap3A_136 = vector.shape_cast %swap3A_135 : vector<1x16xf32> to vector<16xf32>
      %swap3A_137 = vector.shape_cast %broadcast_in_dim3A_1 : vector<16xf32> to vector<1x16xf32>
      tpu.vector_store %arg12[%swap3A_133, %swap3A_134], %swap3A_137 {strides = array<i32>} : memref<16x128xf32, #tpu.memory_space<vmem>>, vector<1x16xf32>,
    }
    %scan3A_6 = arith.constant 16 : i32
    %scan3A_7 = arith.constant 0 : i32
    %scan3A_8 = arith.constant 0 : i32
    %scan3A_9 = arith.constant 64 : i32
    %scan3A_10 = arith.addi %scan3A_8, %scan3A_9 : i32
    %scan3A_11 = arith.constant 1 : i32
    scf.for %scan3A_97 = %scan3A_8 to %scan3A_10 step %scan3A_11  : i32 {
      %mul3A_98 = arith.constant 16 : i32
      %mul3A_99 = arith.muli %scan3A_97, %mul3A_98 : i32
      %swap3A_100 = arith.index_cast %mul3A_99 : i32 to index
      %swap3A_101 = tpu.vector_load %arg13[%swap3A_100] {strides = array<i32>} : memref<1024xf32, #tpu.memory_space<vmem>>, vector<16xf32>,
      %swap3A_102 = vector.shape_cast %swap3A_101 : vector<16xf32> to vector<16xf32>
      %swap3A_103 = vector.shape_cast %broadcast_in_dim3A_1 : vector<16xf32> to vector<16xf32>
      tpu.vector_store %arg13[%swap3A_100], %swap3A_103 {strides = array<i32>} : memref<1024xf32, #tpu.memory_space<vmem>>, vector<16xf32>,
    }
    %scan3A_12 = arith.constant 64 : i32
    %broadcast_in_dim3A_13 = arith.constant 1.000000e+00 : f32
    %broadcast_in_dim3A_14 = vector.broadcast %broadcast_in_dim3A_13 : f32 to vector<16xf32>
    %swap3A = arith.constant 0 : index
    %swap3A_15 = tpu.vector_load %arg11[%swap3A] {strides = array<i32>} : memref<80xf32, #tpu.memory_space<vmem>>, vector<16xf32>,
    %swap3A_16 = vector.shape_cast %swap3A_15 : vector<16xf32> to vector<16xf32>
    %swap3A_17 = vector.shape_cast %broadcast_in_dim3A_14 : vector<16xf32> to vector<16xf32>
    tpu.vector_store %arg11[%swap3A], %swap3A_17 {strides = array<i32>} : memref<80xf32, #tpu.memory_space<vmem>>, vector<16xf32>,
    %swap3A_18 = arith.constant 16 : index
    %swap3A_19 = tpu.vector_load %arg11[%swap3A_18] {strides = array<i32>} : memref<80xf32, #tpu.memory_space<vmem>>, vector<16xf32>,
    %swap3A_20 = vector.shape_cast %swap3A_19 : vector<16xf32> to vector<16xf32>
    %swap3A_21 = vector.shape_cast %broadcast_in_dim3A_14 : vector<16xf32> to vector<16xf32>
    tpu.vector_store %arg11[%swap3A_18], %swap3A_21 {strides = array<i32>} : memref<80xf32, #tpu.memory_space<vmem>>, vector<16xf32>,
    %swap3A_22 = arith.constant 32 : index
    %swap3A_23 = tpu.vector_load %arg11[%swap3A_22] {strides = array<i32>} : memref<80xf32, #tpu.memory_space<vmem>>, vector<16xf32>,
    %swap3A_24 = vector.shape_cast %swap3A_23 : vector<16xf32> to vector<16xf32>
    %swap3A_25 = vector.shape_cast %broadcast_in_dim3A_14 : vector<16xf32> to vector<16xf32>
    tpu.vector_store %arg11[%swap3A_22], %swap3A_25 {strides = array<i32>} : memref<80xf32, #tpu.memory_space<vmem>>, vector<16xf32>,
    %swap3A_26 = arith.constant 48 : index
    %swap3A_27 = tpu.vector_load %arg11[%swap3A_26] {strides = array<i32>} : memref<80xf32, #tpu.memory_space<vmem>>, vector<16xf32>,
    %swap3A_28 = vector.shape_cast %swap3A_27 : vector<16xf32> to vector<16xf32>
    %swap3A_29 = vector.shape_cast %broadcast_in_dim3A_14 : vector<16xf32> to vector<16xf32>
    tpu.vector_store %arg11[%swap3A_26], %swap3A_29 {strides = array<i32>} : memref<80xf32, #tpu.memory_space<vmem>>, vector<16xf32>,
    %swap3A_30 = arith.constant 64 : index
    %swap3A_31 = tpu.vector_load %arg11[%swap3A_30] {strides = array<i32>} : memref<80xf32, #tpu.memory_space<vmem>>, vector<16xf32>,
    %swap3A_32 = vector.shape_cast %swap3A_31 : vector<16xf32> to vector<16xf32>
    %swap3A_33 = vector.shape_cast %broadcast_in_dim3A_14 : vector<16xf32> to vector<16xf32>
    tpu.vector_store %arg11[%swap3A_30], %swap3A_33 {strides = array<i32>} : memref<80xf32, #tpu.memory_space<vmem>>, vector<16xf32>,
    %lt3A = arith.constant 10 : i32
    %lt3A_34 = arith.cmpi slt, %arg1, %lt3A : i32
    %convert_element_type3A = arith.extui %lt3A_34 : i1 to i32
    %cond3A = arith.constant 0 : i32
    %cond3A_35 = arith.cmpi ne, %convert_element_type3A, %cond3A : i32
    scf.if %cond3A_35 {
      %scan3A_97 = arith.constant 0 : i32
      %scan3A_98 = arith.constant 0 : i32
      %scan3A_99 = arith.constant 64 : i32
      %scan3A_100 = arith.addi %scan3A_98, %scan3A_99 : i32
      %scan3A_101 = arith.constant 1 : i32
      scf.for %scan3A_105 = %scan3A_98 to %scan3A_100 step %scan3A_101  : i32 {
        %mul3A_106 = arith.constant 1024 : i32
        %mul3A_107 = arith.muli %arg1, %mul3A_106 : i32
        %mul3A_108 = arith.constant 16 : i32
        %mul3A_109 = arith.muli %scan3A_105, %mul3A_108 : i32
        %add3A_110 = arith.addi %mul3A_107, %mul3A_109 : i32
        "tpu.region"() ({
          %run_scoped3A_111 = tpu.sem_alloc : memref<!tpu.dma_semaphore, #tpu.memory_space<semaphore_mem>>
          %dma_start3A_112 = arith.constant 0 : i32
          %dma_start3A_113 = tpu.memref_slice %arg14[%add3A_110, %dma_start3A_112] : memref<10240x128xf32, #tpu.memory_space<vmem_shared>> -> memref<16x128xf32, #tpu.memory_space<vmem_shared>>
          %dma_start3A_114 = arith.constant 0 : i32
          %dma_start3A_115 = tpu.memref_slice %arg14[%add3A_110, %dma_start3A_114] : memref<10240x128xf32, #tpu.memory_space<vmem_shared>> -> memref<16x128xf32, #tpu.memory_space<vmem_shared>>
          tpu.enqueue_dma source(%arg12 : memref<16x128xf32, #tpu.memory_space<vmem>>) target(%dma_start3A_115 : memref<16x128xf32, #tpu.memory_space<vmem_shared>>) target_semaphore(%run_scoped3A_111 : memref<!tpu.dma_semaphore, #tpu.memory_space<semaphore_mem>>)
          %dma_wait3A_116 = arith.constant 0 : i32
          %dma_wait3A_117 = tpu.memref_slice %arg14[%add3A_110, %dma_wait3A_116] : memref<10240x128xf32, #tpu.memory_space<vmem_shared>> -> memref<16x128xf32, #tpu.memory_space<vmem_shared>>
          %dma_wait3A_118 = arith.constant 0 : i32
          %dma_wait3A_119 = tpu.memref_slice %arg14[%add3A_110, %dma_wait3A_118] : memref<10240x128xf32, #tpu.memory_space<vmem_shared>> -> memref<16x128xf32, #tpu.memory_space<vmem_shared>>
          tpu.wait_dma2 semaphore(%run_scoped3A_111 : memref<!tpu.dma_semaphore, #tpu.memory_space<semaphore_mem>>) src(%arg12 : memref<16x128xf32, #tpu.memory_space<vmem>>) dst(%dma_wait3A_119 : memref<16x128xf32, #tpu.memory_space<vmem_shared>>)
          tpu.yield
        }) : () -> ()
      }
      %scan3A_102 = arith.constant 64 : i32
      %mul3A_103 = arith.constant 1024 : i32
      %mul3A_104 = arith.muli %arg1, %mul3A_103 : i32
      "tpu.region"() ({
        %run_scoped3A_105 = tpu.sem_alloc : memref<!tpu.dma_semaphore, #tpu.memory_space<semaphore_mem>>
        %dma_start3A_106 = tpu.memref_slice %arg15[%mul3A_104] : memref<10240xf32, #tpu.memory_space<vmem_shared>> -> memref<1024xf32, #tpu.memory_space<vmem_shared>>
        %dma_start3A_107 = tpu.memref_slice %arg15[%mul3A_104] : memref<10240xf32, #tpu.memory_space<vmem_shared>> -> memref<1024xf32, #tpu.memory_space<vmem_shared>>
        tpu.enqueue_dma source(%arg13 : memref<1024xf32, #tpu.memory_space<vmem>>) target(%dma_start3A_107 : memref<1024xf32, #tpu.memory_space<vmem_shared>>) target_semaphore(%run_scoped3A_105 : memref<!tpu.dma_semaphore, #tpu.memory_space<semaphore_mem>>)
        %dma_wait3A_108 = tpu.memref_slice %arg15[%mul3A_104] : memref<10240xf32, #tpu.memory_space<vmem_shared>> -> memref<1024xf32, #tpu.memory_space<vmem_shared>>
        %dma_wait3A_109 = tpu.memref_slice %arg15[%mul3A_104] : memref<10240xf32, #tpu.memory_space<vmem_shared>> -> memref<1024xf32, #tpu.memory_space<vmem_shared>>
        tpu.wait_dma2 semaphore(%run_scoped3A_105 : memref<!tpu.dma_semaphore, #tpu.memory_space<semaphore_mem>>) src(%arg13 : memref<1024xf32, #tpu.memory_space<vmem>>) dst(%dma_wait3A_109 : memref<1024xf32, #tpu.memory_space<vmem_shared>>)
        tpu.yield
      }) : () -> ()
    } else {
    }
    %barrier3A = arith.constant 0 : index
    tpu.barrier barrier_id(%barrier3A)
    %run_scoped3A = arith.constant 0 : i32
    "tpu.region"() ({
      %run_scoped3A_97 = tpu.sem_alloc : memref<!tpu.dma_semaphore, #tpu.memory_space<semaphore_mem>>
      %dma_start3A_98 = arith.constant 0 : i32
      %dma_start3A_99 = arith.constant 0 : i32
      %dma_start3A_100 = tpu.memref_slice %arg3[%add3A, %run_scoped3A, %dma_start3A_98, %dma_start3A_99] : memref<32x2x64x80xi32, #tpu.memory_space<hbm>> -> memref<1x1x64x80xi32, #tpu.memory_space<hbm>>
      %dma_start3A_101 = tpu.memref_squeeze %dma_start3A_100 : memref<1x1x64x80xi32, #tpu.memory_space<hbm>> -> memref<64x80xi32, #tpu.memory_space<hbm>>
      %dma_start3A_102 = arith.constant 0 : i32
      %dma_start3A_103 = arith.constant 0 : i32
      %dma_start3A_104 = tpu.memref_slice %arg3[%add3A, %run_scoped3A, %dma_start3A_102, %dma_start3A_103] : memref<32x2x64x80xi32, #tpu.memory_space<hbm>> -> memref<1x1x64x80xi32, #tpu.memory_space<hbm>>
      %dma_start3A_105 = tpu.memref_squeeze %dma_start3A_104 : memref<1x1x64x80xi32, #tpu.memory_space<hbm>> -> memref<64x80xi32, #tpu.memory_space<hbm>>
      tpu.enqueue_dma source(%dma_start3A_105 : memref<64x80xi32, #tpu.memory_space<hbm>>) target(%arg7 : memref<64x80xi32, #tpu.memory_space<vmem>>) target_semaphore(%run_scoped3A_97 : memref<!tpu.dma_semaphore, #tpu.memory_space<semaphore_mem>>)
      %dma_wait3A_106 = arith.constant 0 : i32
      %dma_wait3A_107 = arith.constant 0 : i32
      %dma_wait3A_108 = tpu.memref_slice %arg3[%add3A, %run_scoped3A, %dma_wait3A_106, %dma_wait3A_107] : memref<32x2x64x80xi32, #tpu.memory_space<hbm>> -> memref<1x1x64x80xi32, #tpu.memory_space<hbm>>
      %dma_wait3A_109 = tpu.memref_squeeze %dma_wait3A_108 : memref<1x1x64x80xi32, #tpu.memory_space<hbm>> -> memref<64x80xi32, #tpu.memory_space<hbm>>
      %dma_wait3A_110 = arith.constant 0 : i32
      %dma_wait3A_111 = arith.constant 0 : i32
      %dma_wait3A_112 = tpu.memref_slice %arg3[%add3A, %run_scoped3A, %dma_wait3A_110, %dma_wait3A_111] : memref<32x2x64x80xi32, #tpu.memory_space<hbm>> -> memref<1x1x64x80xi32, #tpu.memory_space<hbm>>
      %dma_wait3A_113 = tpu.memref_squeeze %dma_wait3A_112 : memref<1x1x64x80xi32, #tpu.memory_space<hbm>> -> memref<64x80xi32, #tpu.memory_space<hbm>>
      tpu.wait_dma2 semaphore(%run_scoped3A_97 : memref<!tpu.dma_semaphore, #tpu.memory_space<semaphore_mem>>) src(%dma_wait3A_113 : memref<64x80xi32, #tpu.memory_space<hbm>>) dst(%arg7 : memref<64x80xi32, #tpu.memory_space<vmem>>)
      tpu.yield
    }) : () -> ()
    %run_scoped3A_36 = arith.constant 0 : i32
    "tpu.region"() ({
      %run_scoped3A_97 = tpu.sem_alloc : memref<!tpu.dma_semaphore, #tpu.memory_space<semaphore_mem>>
      %dma_start3A_98 = arith.constant 0 : i32
      %dma_start3A_99 = arith.constant 0 : i32
      %dma_start3A_100 = tpu.memref_slice %arg4[%add3A, %run_scoped3A_36, %dma_start3A_98, %dma_start3A_99] : memref<32x2x64x80xi32, #tpu.memory_space<hbm>> -> memref<1x1x64x80xi32, #tpu.memory_space<hbm>>
      %dma_start3A_101 = tpu.memref_squeeze %dma_start3A_100 : memref<1x1x64x80xi32, #tpu.memory_space<hbm>> -> memref<64x80xi32, #tpu.memory_space<hbm>>
      %dma_start3A_102 = arith.constant 0 : i32
      %dma_start3A_103 = arith.constant 0 : i32
      %dma_start3A_104 = tpu.memref_slice %arg4[%add3A, %run_scoped3A_36, %dma_start3A_102, %dma_start3A_103] : memref<32x2x64x80xi32, #tpu.memory_space<hbm>> -> memref<1x1x64x80xi32, #tpu.memory_space<hbm>>
      %dma_start3A_105 = tpu.memref_squeeze %dma_start3A_104 : memref<1x1x64x80xi32, #tpu.memory_space<hbm>> -> memref<64x80xi32, #tpu.memory_space<hbm>>
      tpu.enqueue_dma source(%dma_start3A_105 : memref<64x80xi32, #tpu.memory_space<hbm>>) target(%arg8 : memref<64x80xi32, #tpu.memory_space<vmem>>) target_semaphore(%run_scoped3A_97 : memref<!tpu.dma_semaphore, #tpu.memory_space<semaphore_mem>>)
      %dma_wait3A_106 = arith.constant 0 : i32
      %dma_wait3A_107 = arith.constant 0 : i32
      %dma_wait3A_108 = tpu.memref_slice %arg4[%add3A, %run_scoped3A_36, %dma_wait3A_106, %dma_wait3A_107] : memref<32x2x64x80xi32, #tpu.memory_space<hbm>> -> memref<1x1x64x80xi32, #tpu.memory_space<hbm>>
      %dma_wait3A_109 = tpu.memref_squeeze %dma_wait3A_108 : memref<1x1x64x80xi32, #tpu.memory_space<hbm>> -> memref<64x80xi32, #tpu.memory_space<hbm>>
      %dma_wait3A_110 = arith.constant 0 : i32
      %dma_wait3A_111 = arith.constant 0 : i32
      %dma_wait3A_112 = tpu.memref_slice %arg4[%add3A, %run_scoped3A_36, %dma_wait3A_110, %dma_wait3A_111] : memref<32x2x64x80xi32, #tpu.memory_space<hbm>> -> memref<1x1x64x80xi32, #tpu.memory_space<hbm>>
      %dma_wait3A_113 = tpu.memref_squeeze %dma_wait3A_112 : memref<1x1x64x80xi32, #tpu.memory_space<hbm>> -> memref<64x80xi32, #tpu.memory_space<hbm>>
      tpu.wait_dma2 semaphore(%run_scoped3A_97 : memref<!tpu.dma_semaphore, #tpu.memory_space<semaphore_mem>>) src(%dma_wait3A_113 : memref<64x80xi32, #tpu.memory_space<hbm>>) dst(%arg8 : memref<64x80xi32, #tpu.memory_space<vmem>>)
      tpu.yield
    }) : () -> ()
    %dma_start3A = arith.constant 0 : i32
    %dma_start3A_37 = arith.constant 0 : i32
    %dma_start3A_38 = tpu.memref_slice %arg7[%dma_start3A, %dma_start3A_37] : memref<64x80xi32, #tpu.memory_space<vmem>> -> memref<1x80xi32, #tpu.memory_space<vmem>>
    %dma_start3A_39 = tpu.memref_squeeze %dma_start3A_38 : memref<1x80xi32, #tpu.memory_space<vmem>> -> memref<80xi32, #tpu.memory_space<vmem>>
    %dma_start3A_40 = arith.constant 0 : i32
    %dma_start3A_41 = arith.constant 0 : i32
    %dma_start3A_42 = tpu.memref_slice %arg2[%dma_start3A_40, %dma_start3A_41] : memref<10000x128xf32, #tpu.memory_space<hbm>> -> memref<10000x128xf32, #tpu.memory_space<hbm>>
    tpu.enqueue_indirect_dma source(%dma_start3A_42 : memref<10000x128xf32, #tpu.memory_space<hbm>>) target(%arg9 : memref<80x128xf32, #tpu.memory_space<vmem>>) offsets(%dma_start3A_39 : memref<80xi32, #tpu.memory_space<vmem>>) semaphore(%arg16 : memref<!tpu.dma_semaphore, #tpu.memory_space<semaphore_mem>>)
    %scan3A_43 = arith.constant 0 : i32
    %scan3A_44 = arith.constant 0 : i32
    %scan3A_45 = arith.constant 32 : i32
    %scan3A_46 = arith.addi %scan3A_44, %scan3A_45 : i32
    %scan3A_47 = arith.constant 1 : i32
    scf.for %scan3A_97 = %scan3A_44 to %scan3A_46 step %scan3A_47  : i32 {
      %mul3A_98 = arith.constant 2 : i32
      %mul3A_99 = arith.muli %mul3A_98, %scan3A_97 : i32
      %dma_wait3A_100 = arith.constant 0 : i32
      %dma_wait3A_101 = tpu.memref_slice %arg7[%mul3A_99, %dma_wait3A_100] : memref<64x80xi32, #tpu.memory_space<vmem>> -> memref<1x80xi32, #tpu.memory_space<vmem>>
      %dma_wait3A_102 = tpu.memref_squeeze %dma_wait3A_101 : memref<1x80xi32, #tpu.memory_space<vmem>> -> memref<80xi32, #tpu.memory_space<vmem>>
      %dma_wait3A_103 = arith.constant 0 : i32
      %dma_wait3A_104 = arith.constant 0 : i32
      %dma_wait3A_105 = tpu.memref_slice %arg2[%dma_wait3A_103, %dma_wait3A_104] : memref<10000x128xf32, #tpu.memory_space<hbm>> -> memref<10000x128xf32, #tpu.memory_space<hbm>>
      tpu.wait_indirect_dma semaphore(%arg16 : memref<!tpu.dma_semaphore, #tpu.memory_space<semaphore_mem>>) src(%dma_wait3A_105 : memref<10000x128xf32, #tpu.memory_space<hbm>>) dst(%arg9 : memref<80x128xf32, #tpu.memory_space<vmem>>)
      %gt3A = arith.constant 0 : i32
      %gt3A_106 = arith.cmpi sgt, %scan3A_97, %gt3A : i32
      %convert_element_type3A_107 = arith.extui %gt3A_106 : i1 to i32
      %cond3A_108 = arith.constant 0 : i32
      %cond3A_109 = arith.cmpi ne, %convert_element_type3A_107, %cond3A_108 : i32
      scf.if %cond3A_109 {
        %dma_wait3A_169 = arith.constant 0 : i32
        %dma_wait3A_170 = arith.constant 0 : i32
        %dma_wait3A_171 = tpu.memref_slice %arg7[%dma_wait3A_169, %dma_wait3A_170] : memref<64x80xi32, #tpu.memory_space<vmem>> -> memref<1x80xi32, #tpu.memory_space<vmem>>
        %dma_wait3A_172 = tpu.memref_squeeze %dma_wait3A_171 : memref<1x80xi32, #tpu.memory_space<vmem>> -> memref<80xi32, #tpu.memory_space<vmem>>
        %dma_wait3A_173 = arith.constant 0 : i32
        %dma_wait3A_174 = arith.constant 0 : i32
        %dma_wait3A_175 = tpu.memref_slice %arg2[%dma_wait3A_173, %dma_wait3A_174] : memref<10000x128xf32, #tpu.memory_space<hbm>> -> memref<10000x128xf32, #tpu.memory_space<hbm>>
        tpu.wait_indirect_dma semaphore(%arg17 : memref<!tpu.dma_semaphore, #tpu.memory_space<semaphore_mem>>) src(%dma_wait3A_175 : memref<10000x128xf32, #tpu.memory_space<hbm>>) dst(%arg10 : memref<80x128xf32, #tpu.memory_space<vmem>>)
        %dma_wait3A_176 = arith.constant 0 : i32
        %dma_wait3A_177 = arith.constant 0 : i32
        %dma_wait3A_178 = tpu.memref_slice %arg2[%dma_wait3A_176, %dma_wait3A_177] : memref<10000x128xf32, #tpu.memory_space<hbm>> -> memref<1x80xf32, #tpu.memory_space<hbm>>
        %dma_wait3A_179 = tpu.memref_squeeze %dma_wait3A_178 : memref<1x80xf32, #tpu.memory_space<hbm>> -> memref<80xf32, #tpu.memory_space<hbm>>
        %dma_wait3A_180 = arith.constant 0 : i32
        %dma_wait3A_181 = tpu.memref_slice %arg2[%dma_wait3A_176, %dma_wait3A_180] : memref<10000x128xf32, #tpu.memory_space<hbm>> -> memref<1x80xf32, #tpu.memory_space<hbm>>
        %dma_wait3A_182 = tpu.memref_squeeze %dma_wait3A_181 : memref<1x80xf32, #tpu.memory_space<hbm>> -> memref<80xf32, #tpu.memory_space<hbm>>
        tpu.wait_dma2 semaphore(%arg18 : memref<!tpu.dma_semaphore, #tpu.memory_space<semaphore_mem>>) src(%dma_wait3A_182 : memref<80xf32, #tpu.memory_space<hbm>>) dst(%arg11 : memref<80xf32, #tpu.memory_space<vmem>>)
      } else {
      }
      %add3A_110 = arith.constant 1 : i32
      %add3A_111 = arith.addi %mul3A_99, %add3A_110 : i32
      %dma_start3A_112 = arith.constant 0 : i32
      %dma_start3A_113 = tpu.memref_slice %arg7[%add3A_111, %dma_start3A_112] : memref<64x80xi32, #tpu.memory_space<vmem>> -> memref<1x80xi32, #tpu.memory_space<vmem>>
      %dma_start3A_114 = tpu.memref_squeeze %dma_start3A_113 : memref<1x80xi32, #tpu.memory_space<vmem>> -> memref<80xi32, #tpu.memory_space<vmem>>
      %dma_start3A_115 = arith.constant 0 : i32
      %dma_start3A_116 = arith.constant 0 : i32
      %dma_start3A_117 = tpu.memref_slice %arg2[%dma_start3A_115, %dma_start3A_116] : memref<10000x128xf32, #tpu.memory_space<hbm>> -> memref<10000x128xf32, #tpu.memory_space<hbm>>
      tpu.enqueue_indirect_dma source(%dma_start3A_117 : memref<10000x128xf32, #tpu.memory_space<hbm>>) target(%arg10 : memref<80x128xf32, #tpu.memory_space<vmem>>) offsets(%dma_start3A_114 : memref<80xi32, #tpu.memory_space<vmem>>) semaphore(%arg16 : memref<!tpu.dma_semaphore, #tpu.memory_space<semaphore_mem>>)
      %dma_start3A_118 = arith.constant 0 : i32
      %dma_start3A_119 = tpu.memref_slice %arg8[%mul3A_99, %dma_start3A_118] : memref<64x80xi32, #tpu.memory_space<vmem>> -> memref<1x80xi32, #tpu.memory_space<vmem>>
      %dma_start3A_120 = tpu.memref_squeeze %dma_start3A_119 : memref<1x80xi32, #tpu.memory_space<vmem>> -> memref<80xi32, #tpu.memory_space<vmem>>
      %dma_start3A_121 = arith.constant 0 : i32
      %dma_start3A_122 = arith.constant 0 : i32
      %dma_start3A_123 = tpu.memref_slice %arg14[%dma_start3A_121, %dma_start3A_122] : memref<10240x128xf32, #tpu.memory_space<vmem_shared>> -> memref<10240x128xf32, #tpu.memory_space<vmem_shared>>
      tpu.enqueue_indirect_dma source(%arg9 : memref<80x128xf32, #tpu.memory_space<vmem>>) target(%dma_start3A_123 : memref<10240x128xf32, #tpu.memory_space<vmem_shared>>) offsets(%dma_start3A_120 : memref<80xi32, #tpu.memory_space<vmem>>) semaphore(%arg17 : memref<!tpu.dma_semaphore, #tpu.memory_space<semaphore_mem>>) {add = true}
      %dma_start3A_124 = arith.constant 0 : i32
      %dma_start3A_125 = tpu.memref_slice %arg8[%mul3A_99, %dma_start3A_124] : memref<64x80xi32, #tpu.memory_space<vmem>> -> memref<1x80xi32, #tpu.memory_space<vmem>>
      %dma_start3A_126 = tpu.memref_squeeze %dma_start3A_125 : memref<1x80xi32, #tpu.memory_space<vmem>> -> memref<80xi32, #tpu.memory_space<vmem>>
      %dma_start3A_127 = arith.constant 0 : i32
      %dma_start3A_128 = tpu.memref_slice %arg15[%dma_start3A_127] : memref<10240xf32, #tpu.memory_space<vmem_shared>> -> memref<10240xf32, #tpu.memory_space<vmem_shared>>
      tpu.enqueue_indirect_dma source(%arg11 : memref<80xf32, #tpu.memory_space<vmem>>) target(%dma_start3A_128 : memref<10240xf32, #tpu.memory_space<vmem_shared>>) offsets(%dma_start3A_126 : memref<80xi32, #tpu.memory_space<vmem>>) semaphore(%arg18 : memref<!tpu.dma_semaphore, #tpu.memory_space<semaphore_mem>>) {add = true}
      %add3A_129 = arith.constant 1 : i32
      %add3A_130 = arith.addi %mul3A_99, %add3A_129 : i32
      %dma_wait3A_131 = arith.constant 0 : i32
      %dma_wait3A_132 = tpu.memref_slice %arg7[%add3A_130, %dma_wait3A_131] : memref<64x80xi32, #tpu.memory_space<vmem>> -> memref<1x80xi32, #tpu.memory_space<vmem>>
      %dma_wait3A_133 = tpu.memref_squeeze %dma_wait3A_132 : memref<1x80xi32, #tpu.memory_space<vmem>> -> memref<80xi32, #tpu.memory_space<vmem>>
      %dma_wait3A_134 = arith.constant 0 : i32
      %dma_wait3A_135 = arith.constant 0 : i32
      %dma_wait3A_136 = tpu.memref_slice %arg2[%dma_wait3A_134, %dma_wait3A_135] : memref<10000x128xf32, #tpu.memory_space<hbm>> -> memref<10000x128xf32, #tpu.memory_space<hbm>>
      tpu.wait_indirect_dma semaphore(%arg16 : memref<!tpu.dma_semaphore, #tpu.memory_space<semaphore_mem>>) src(%dma_wait3A_136 : memref<10000x128xf32, #tpu.memory_space<hbm>>) dst(%arg10 : memref<80x128xf32, #tpu.memory_space<vmem>>)
      %dma_wait3A_137 = arith.constant 0 : i32
      %dma_wait3A_138 = arith.constant 0 : i32
      %dma_wait3A_139 = tpu.memref_slice %arg7[%dma_wait3A_137, %dma_wait3A_138] : memref<64x80xi32, #tpu.memory_space<vmem>> -> memref<1x80xi32, #tpu.memory_space<vmem>>
      %dma_wait3A_140 = tpu.memref_squeeze %dma_wait3A_139 : memref<1x80xi32, #tpu.memory_space<vmem>> -> memref<80xi32, #tpu.memory_space<vmem>>
      %dma_wait3A_141 = arith.constant 0 : i32
      %dma_wait3A_142 = arith.constant 0 : i32
      %dma_wait3A_143 = tpu.memref_slice %arg2[%dma_wait3A_141, %dma_wait3A_142] : memref<10000x128xf32, #tpu.memory_space<hbm>> -> memref<10000x128xf32, #tpu.memory_space<hbm>>
      tpu.wait_indirect_dma semaphore(%arg17 : memref<!tpu.dma_semaphore, #tpu.memory_space<semaphore_mem>>) src(%dma_wait3A_143 : memref<10000x128xf32, #tpu.memory_space<hbm>>) dst(%arg9 : memref<80x128xf32, #tpu.memory_space<vmem>>)
      %dma_wait3A_144 = arith.constant 0 : i32
      %dma_wait3A_145 = arith.constant 0 : i32
      %dma_wait3A_146 = tpu.memref_slice %arg2[%dma_wait3A_144, %dma_wait3A_145] : memref<10000x128xf32, #tpu.memory_space<hbm>> -> memref<1x80xf32, #tpu.memory_space<hbm>>
      %dma_wait3A_147 = tpu.memref_squeeze %dma_wait3A_146 : memref<1x80xf32, #tpu.memory_space<hbm>> -> memref<80xf32, #tpu.memory_space<hbm>>
      %dma_wait3A_148 = arith.constant 0 : i32
      %dma_wait3A_149 = tpu.memref_slice %arg2[%dma_wait3A_144, %dma_wait3A_148] : memref<10000x128xf32, #tpu.memory_space<hbm>> -> memref<1x80xf32, #tpu.memory_space<hbm>>
      %dma_wait3A_150 = tpu.memref_squeeze %dma_wait3A_149 : memref<1x80xf32, #tpu.memory_space<hbm>> -> memref<80xf32, #tpu.memory_space<hbm>>
      tpu.wait_dma2 semaphore(%arg18 : memref<!tpu.dma_semaphore, #tpu.memory_space<semaphore_mem>>) src(%dma_wait3A_150 : memref<80xf32, #tpu.memory_space<hbm>>) dst(%arg11 : memref<80xf32, #tpu.memory_space<vmem>>)
      %lt3A_151 = arith.constant 31 : i32
      %lt3A_152 = arith.cmpi slt, %scan3A_97, %lt3A_151 : i32
      %convert_element_type3A_153 = arith.extui %lt3A_152 : i1 to i32
      %cond3A_154 = arith.constant 0 : i32
      %cond3A_155 = arith.cmpi ne, %convert_element_type3A_153, %cond3A_154 : i32
      scf.if %cond3A_155 {
        %add3A_169 = arith.constant 2 : i32
        %add3A_170 = arith.addi %mul3A_99, %add3A_169 : i32
        %dma_start3A_171 = arith.constant 0 : i32
        %dma_start3A_172 = tpu.memref_slice %arg7[%add3A_170, %dma_start3A_171] : memref<64x80xi32, #tpu.memory_space<vmem>> -> memref<1x80xi32, #tpu.memory_space<vmem>>
        %dma_start3A_173 = tpu.memref_squeeze %dma_start3A_172 : memref<1x80xi32, #tpu.memory_space<vmem>> -> memref<80xi32, #tpu.memory_space<vmem>>
        %dma_start3A_174 = arith.constant 0 : i32
        %dma_start3A_175 = arith.constant 0 : i32
        %dma_start3A_176 = tpu.memref_slice %arg2[%dma_start3A_174, %dma_start3A_175] : memref<10000x128xf32, #tpu.memory_space<hbm>> -> memref<10000x128xf32, #tpu.memory_space<hbm>>
        tpu.enqueue_indirect_dma source(%dma_start3A_176 : memref<10000x128xf32, #tpu.memory_space<hbm>>) target(%arg9 : memref<80x128xf32, #tpu.memory_space<vmem>>) offsets(%dma_start3A_173 : memref<80xi32, #tpu.memory_space<vmem>>) semaphore(%arg16 : memref<!tpu.dma_semaphore, #tpu.memory_space<semaphore_mem>>)
      } else {
      }
      %add3A_156 = arith.constant 1 : i32
      %add3A_157 = arith.addi %mul3A_99, %add3A_156 : i32
      %dma_start3A_158 = arith.constant 0 : i32
      %dma_start3A_159 = tpu.memref_slice %arg8[%add3A_157, %dma_start3A_158] : memref<64x80xi32, #tpu.memory_space<vmem>> -> memref<1x80xi32, #tpu.memory_space<vmem>>
      %dma_start3A_160 = tpu.memref_squeeze %dma_start3A_159 : memref<1x80xi32, #tpu.memory_space<vmem>> -> memref<80xi32, #tpu.memory_space<vmem>>
      %dma_start3A_161 = arith.constant 0 : i32
      %dma_start3A_162 = arith.constant 0 : i32
      %dma_start3A_163 = tpu.memref_slice %arg14[%dma_start3A_161, %dma_start3A_162] : memref<10240x128xf32, #tpu.memory_space<vmem_shared>> -> memref<10240x128xf32, #tpu.memory_space<vmem_shared>>
      tpu.enqueue_indirect_dma source(%arg10 : memref<80x128xf32, #tpu.memory_space<vmem>>) target(%dma_start3A_163 : memref<10240x128xf32, #tpu.memory_space<vmem_shared>>) offsets(%dma_start3A_160 : memref<80xi32, #tpu.memory_space<vmem>>) semaphore(%arg17 : memref<!tpu.dma_semaphore, #tpu.memory_space<semaphore_mem>>) {add = true}
      %dma_start3A_164 = arith.constant 0 : i32
      %dma_start3A_165 = tpu.memref_slice %arg8[%add3A_157, %dma_start3A_164] : memref<64x80xi32, #tpu.memory_space<vmem>> -> memref<1x80xi32, #tpu.memory_space<vmem>>
      %dma_start3A_166 = tpu.memref_squeeze %dma_start3A_165 : memref<1x80xi32, #tpu.memory_space<vmem>> -> memref<80xi32, #tpu.memory_space<vmem>>
      %dma_start3A_167 = arith.constant 0 : i32
      %dma_start3A_168 = tpu.memref_slice %arg15[%dma_start3A_167] : memref<10240xf32, #tpu.memory_space<vmem_shared>> -> memref<10240xf32, #tpu.memory_space<vmem_shared>>
      tpu.enqueue_indirect_dma source(%arg11 : memref<80xf32, #tpu.memory_space<vmem>>) target(%dma_start3A_168 : memref<10240xf32, #tpu.memory_space<vmem_shared>>) offsets(%dma_start3A_166 : memref<80xi32, #tpu.memory_space<vmem>>) semaphore(%arg18 : memref<!tpu.dma_semaphore, #tpu.memory_space<semaphore_mem>>) {add = true}
    }
    %scan3A_48 = arith.constant 32 : i32
    %dma_wait3A = arith.constant 0 : i32
    %dma_wait3A_49 = arith.constant 0 : i32
    %dma_wait3A_50 = tpu.memref_slice %arg7[%dma_wait3A, %dma_wait3A_49] : memref<64x80xi32, #tpu.memory_space<vmem>> -> memref<1x80xi32, #tpu.memory_space<vmem>>
    %dma_wait3A_51 = tpu.memref_squeeze %dma_wait3A_50 : memref<1x80xi32, #tpu.memory_space<vmem>> -> memref<80xi32, #tpu.memory_space<vmem>>
    %dma_wait3A_52 = arith.constant 0 : i32
    %dma_wait3A_53 = arith.constant 0 : i32
    %dma_wait3A_54 = tpu.memref_slice %arg2[%dma_wait3A_52, %dma_wait3A_53] : memref<10000x128xf32, #tpu.memory_space<hbm>> -> memref<10000x128xf32, #tpu.memory_space<hbm>>
    tpu.wait_indirect_dma semaphore(%arg17 : memref<!tpu.dma_semaphore, #tpu.memory_space<semaphore_mem>>) src(%dma_wait3A_54 : memref<10000x128xf32, #tpu.memory_space<hbm>>) dst(%arg10 : memref<80x128xf32, #tpu.memory_space<vmem>>)
    %dma_wait3A_55 = arith.constant 0 : i32
    %dma_wait3A_56 = arith.constant 0 : i32
    %dma_wait3A_57 = tpu.memref_slice %arg2[%dma_wait3A_55, %dma_wait3A_56] : memref<10000x128xf32, #tpu.memory_space<hbm>> -> memref<1x80xf32, #tpu.memory_space<hbm>>
    %dma_wait3A_58 = tpu.memref_squeeze %dma_wait3A_57 : memref<1x80xf32, #tpu.memory_space<hbm>> -> memref<80xf32, #tpu.memory_space<hbm>>
    %dma_wait3A_59 = arith.constant 0 : i32
    %dma_wait3A_60 = tpu.memref_slice %arg2[%dma_wait3A_55, %dma_wait3A_59] : memref<10000x128xf32, #tpu.memory_space<hbm>> -> memref<1x80xf32, #tpu.memory_space<hbm>>
    %dma_wait3A_61 = tpu.memref_squeeze %dma_wait3A_60 : memref<1x80xf32, #tpu.memory_space<hbm>> -> memref<80xf32, #tpu.memory_space<hbm>>
    tpu.wait_dma2 semaphore(%arg18 : memref<!tpu.dma_semaphore, #tpu.memory_space<semaphore_mem>>) src(%dma_wait3A_61 : memref<80xf32, #tpu.memory_space<hbm>>) dst(%arg11 : memref<80xf32, #tpu.memory_space<vmem>>)
    %run_scoped3A_62 = arith.constant 1 : i32
    "tpu.region"() ({
      %run_scoped3A_97 = tpu.sem_alloc : memref<!tpu.dma_semaphore, #tpu.memory_space<semaphore_mem>>
      %dma_start3A_98 = arith.constant 0 : i32
      %dma_start3A_99 = arith.constant 0 : i32
      %dma_start3A_100 = tpu.memref_slice %arg3[%add3A, %run_scoped3A_62, %dma_start3A_98, %dma_start3A_99] : memref<32x2x64x80xi32, #tpu.memory_space<hbm>> -> memref<1x1x64x80xi32, #tpu.memory_space<hbm>>
      %dma_start3A_101 = tpu.memref_squeeze %dma_start3A_100 : memref<1x1x64x80xi32, #tpu.memory_space<hbm>> -> memref<64x80xi32, #tpu.memory_space<hbm>>
      %dma_start3A_102 = arith.constant 0 : i32
      %dma_start3A_103 = arith.constant 0 : i32
      %dma_start3A_104 = tpu.memref_slice %arg3[%add3A, %run_scoped3A_62, %dma_start3A_102, %dma_start3A_103] : memref<32x2x64x80xi32, #tpu.memory_space<hbm>> -> memref<1x1x64x80xi32, #tpu.memory_space<hbm>>
      %dma_start3A_105 = tpu.memref_squeeze %dma_start3A_104 : memref<1x1x64x80xi32, #tpu.memory_space<hbm>> -> memref<64x80xi32, #tpu.memory_space<hbm>>
      tpu.enqueue_dma source(%dma_start3A_105 : memref<64x80xi32, #tpu.memory_space<hbm>>) target(%arg7 : memref<64x80xi32, #tpu.memory_space<vmem>>) target_semaphore(%run_scoped3A_97 : memref<!tpu.dma_semaphore, #tpu.memory_space<semaphore_mem>>)
      %dma_wait3A_106 = arith.constant 0 : i32
      %dma_wait3A_107 = arith.constant 0 : i32
      %dma_wait3A_108 = tpu.memref_slice %arg3[%add3A, %run_scoped3A_62, %dma_wait3A_106, %dma_wait3A_107] : memref<32x2x64x80xi32, #tpu.memory_space<hbm>> -> memref<1x1x64x80xi32, #tpu.memory_space<hbm>>
      %dma_wait3A_109 = tpu.memref_squeeze %dma_wait3A_108 : memref<1x1x64x80xi32, #tpu.memory_space<hbm>> -> memref<64x80xi32, #tpu.memory_space<hbm>>
      %dma_wait3A_110 = arith.constant 0 : i32
      %dma_wait3A_111 = arith.constant 0 : i32
      %dma_wait3A_112 = tpu.memref_slice %arg3[%add3A, %run_scoped3A_62, %dma_wait3A_110, %dma_wait3A_111] : memref<32x2x64x80xi32, #tpu.memory_space<hbm>> -> memref<1x1x64x80xi32, #tpu.memory_space<hbm>>
      %dma_wait3A_113 = tpu.memref_squeeze %dma_wait3A_112 : memref<1x1x64x80xi32, #tpu.memory_space<hbm>> -> memref<64x80xi32, #tpu.memory_space<hbm>>
      tpu.wait_dma2 semaphore(%run_scoped3A_97 : memref<!tpu.dma_semaphore, #tpu.memory_space<semaphore_mem>>) src(%dma_wait3A_113 : memref<64x80xi32, #tpu.memory_space<hbm>>) dst(%arg7 : memref<64x80xi32, #tpu.memory_space<vmem>>)
      tpu.yield
    }) : () -> ()
    %run_scoped3A_63 = arith.constant 1 : i32
    "tpu.region"() ({
      %run_scoped3A_97 = tpu.sem_alloc : memref<!tpu.dma_semaphore, #tpu.memory_space<semaphore_mem>>
      %dma_start3A_98 = arith.constant 0 : i32
      %dma_start3A_99 = arith.constant 0 : i32
      %dma_start3A_100 = tpu.memref_slice %arg4[%add3A, %run_scoped3A_63, %dma_start3A_98, %dma_start3A_99] : memref<32x2x64x80xi32, #tpu.memory_space<hbm>> -> memref<1x1x64x80xi32, #tpu.memory_space<hbm>>
      %dma_start3A_101 = tpu.memref_squeeze %dma_start3A_100 : memref<1x1x64x80xi32, #tpu.memory_space<hbm>> -> memref<64x80xi32, #tpu.memory_space<hbm>>
      %dma_start3A_102 = arith.constant 0 : i32
      %dma_start3A_103 = arith.constant 0 : i32
      %dma_start3A_104 = tpu.memref_slice %arg4[%add3A, %run_scoped3A_63, %dma_start3A_102, %dma_start3A_103] : memref<32x2x64x80xi32, #tpu.memory_space<hbm>> -> memref<1x1x64x80xi32, #tpu.memory_space<hbm>>
      %dma_start3A_105 = tpu.memref_squeeze %dma_start3A_104 : memref<1x1x64x80xi32, #tpu.memory_space<hbm>> -> memref<64x80xi32, #tpu.memory_space<hbm>>
      tpu.enqueue_dma source(%dma_start3A_105 : memref<64x80xi32, #tpu.memory_space<hbm>>) target(%arg8 : memref<64x80xi32, #tpu.memory_space<vmem>>) target_semaphore(%run_scoped3A_97 : memref<!tpu.dma_semaphore, #tpu.memory_space<semaphore_mem>>)
      %dma_wait3A_106 = arith.constant 0 : i32
      %dma_wait3A_107 = arith.constant 0 : i32
      %dma_wait3A_108 = tpu.memref_slice %arg4[%add3A, %run_scoped3A_63, %dma_wait3A_106, %dma_wait3A_107] : memref<32x2x64x80xi32, #tpu.memory_space<hbm>> -> memref<1x1x64x80xi32, #tpu.memory_space<hbm>>
      %dma_wait3A_109 = tpu.memref_squeeze %dma_wait3A_108 : memref<1x1x64x80xi32, #tpu.memory_space<hbm>> -> memref<64x80xi32, #tpu.memory_space<hbm>>
      %dma_wait3A_110 = arith.constant 0 : i32
      %dma_wait3A_111 = arith.constant 0 : i32
      %dma_wait3A_112 = tpu.memref_slice %arg4[%add3A, %run_scoped3A_63, %dma_wait3A_110, %dma_wait3A_111] : memref<32x2x64x80xi32, #tpu.memory_space<hbm>> -> memref<1x1x64x80xi32, #tpu.memory_space<hbm>>
      %dma_wait3A_113 = tpu.memref_squeeze %dma_wait3A_112 : memref<1x1x64x80xi32, #tpu.memory_space<hbm>> -> memref<64x80xi32, #tpu.memory_space<hbm>>
      tpu.wait_dma2 semaphore(%run_scoped3A_97 : memref<!tpu.dma_semaphore, #tpu.memory_space<semaphore_mem>>) src(%dma_wait3A_113 : memref<64x80xi32, #tpu.memory_space<hbm>>) dst(%arg8 : memref<64x80xi32, #tpu.memory_space<vmem>>)
      tpu.yield
    }) : () -> ()
    %dma_start3A_64 = arith.constant 0 : i32
    %dma_start3A_65 = arith.constant 0 : i32
    %dma_start3A_66 = tpu.memref_slice %arg7[%dma_start3A_64, %dma_start3A_65] : memref<64x80xi32, #tpu.memory_space<vmem>> -> memref<1x80xi32, #tpu.memory_space<vmem>>
    %dma_start3A_67 = tpu.memref_squeeze %dma_start3A_66 : memref<1x80xi32, #tpu.memory_space<vmem>> -> memref<80xi32, #tpu.memory_space<vmem>>
    %dma_start3A_68 = arith.constant 0 : i32
    %dma_start3A_69 = arith.constant 0 : i32
    %dma_start3A_70 = tpu.memref_slice %arg2[%dma_start3A_68, %dma_start3A_69] : memref<10000x128xf32, #tpu.memory_space<hbm>> -> memref<10000x128xf32, #tpu.memory_space<hbm>>
    tpu.enqueue_indirect_dma source(%dma_start3A_70 : memref<10000x128xf32, #tpu.memory_space<hbm>>) target(%arg9 : memref<80x128xf32, #tpu.memory_space<vmem>>) offsets(%dma_start3A_67 : memref<80xi32, #tpu.memory_space<vmem>>) semaphore(%arg16 : memref<!tpu.dma_semaphore, #tpu.memory_space<semaphore_mem>>)
    %scan3A_71 = arith.constant 0 : i32
    %scan3A_72 = arith.constant 0 : i32
    %scan3A_73 = arith.constant 32 : i32
    %scan3A_74 = arith.addi %scan3A_72, %scan3A_73 : i32
    %scan3A_75 = arith.constant 1 : i32
    scf.for %scan3A_97 = %scan3A_72 to %scan3A_74 step %scan3A_75  : i32 {
      %mul3A_98 = arith.constant 2 : i32
      %mul3A_99 = arith.muli %mul3A_98, %scan3A_97 : i32
      %dma_wait3A_100 = arith.constant 0 : i32
      %dma_wait3A_101 = tpu.memref_slice %arg7[%mul3A_99, %dma_wait3A_100] : memref<64x80xi32, #tpu.memory_space<vmem>> -> memref<1x80xi32, #tpu.memory_space<vmem>>
      %dma_wait3A_102 = tpu.memref_squeeze %dma_wait3A_101 : memref<1x80xi32, #tpu.memory_space<vmem>> -> memref<80xi32, #tpu.memory_space<vmem>>
      %dma_wait3A_103 = arith.constant 0 : i32
      %dma_wait3A_104 = arith.constant 0 : i32
      %dma_wait3A_105 = tpu.memref_slice %arg2[%dma_wait3A_103, %dma_wait3A_104] : memref<10000x128xf32, #tpu.memory_space<hbm>> -> memref<10000x128xf32, #tpu.memory_space<hbm>>
      tpu.wait_indirect_dma semaphore(%arg16 : memref<!tpu.dma_semaphore, #tpu.memory_space<semaphore_mem>>) src(%dma_wait3A_105 : memref<10000x128xf32, #tpu.memory_space<hbm>>) dst(%arg9 : memref<80x128xf32, #tpu.memory_space<vmem>>)
      %gt3A = arith.constant 0 : i32
      %gt3A_106 = arith.cmpi sgt, %scan3A_97, %gt3A : i32
      %convert_element_type3A_107 = arith.extui %gt3A_106 : i1 to i32
      %cond3A_108 = arith.constant 0 : i32
      %cond3A_109 = arith.cmpi ne, %convert_element_type3A_107, %cond3A_108 : i32
      scf.if %cond3A_109 {
        %dma_wait3A_169 = arith.constant 0 : i32
        %dma_wait3A_170 = arith.constant 0 : i32
        %dma_wait3A_171 = tpu.memref_slice %arg7[%dma_wait3A_169, %dma_wait3A_170] : memref<64x80xi32, #tpu.memory_space<vmem>> -> memref<1x80xi32, #tpu.memory_space<vmem>>
        %dma_wait3A_172 = tpu.memref_squeeze %dma_wait3A_171 : memref<1x80xi32, #tpu.memory_space<vmem>> -> memref<80xi32, #tpu.memory_space<vmem>>
        %dma_wait3A_173 = arith.constant 0 : i32
        %dma_wait3A_174 = arith.constant 0 : i32
        %dma_wait3A_175 = tpu.memref_slice %arg2[%dma_wait3A_173, %dma_wait3A_174] : memref<10000x128xf32, #tpu.memory_space<hbm>> -> memref<10000x128xf32, #tpu.memory_space<hbm>>
        tpu.wait_indirect_dma semaphore(%arg17 : memref<!tpu.dma_semaphore, #tpu.memory_space<semaphore_mem>>) src(%dma_wait3A_175 : memref<10000x128xf32, #tpu.memory_space<hbm>>) dst(%arg10 : memref<80x128xf32, #tpu.memory_space<vmem>>)
        %dma_wait3A_176 = arith.constant 0 : i32
        %dma_wait3A_177 = arith.constant 0 : i32
        %dma_wait3A_178 = tpu.memref_slice %arg2[%dma_wait3A_176, %dma_wait3A_177] : memref<10000x128xf32, #tpu.memory_space<hbm>> -> memref<1x80xf32, #tpu.memory_space<hbm>>
        %dma_wait3A_179 = tpu.memref_squeeze %dma_wait3A_178 : memref<1x80xf32, #tpu.memory_space<hbm>> -> memref<80xf32, #tpu.memory_space<hbm>>
        %dma_wait3A_180 = arith.constant 0 : i32
        %dma_wait3A_181 = tpu.memref_slice %arg2[%dma_wait3A_176, %dma_wait3A_180] : memref<10000x128xf32, #tpu.memory_space<hbm>> -> memref<1x80xf32, #tpu.memory_space<hbm>>
        %dma_wait3A_182 = tpu.memref_squeeze %dma_wait3A_181 : memref<1x80xf32, #tpu.memory_space<hbm>> -> memref<80xf32, #tpu.memory_space<hbm>>
        tpu.wait_dma2 semaphore(%arg18 : memref<!tpu.dma_semaphore, #tpu.memory_space<semaphore_mem>>) src(%dma_wait3A_182 : memref<80xf32, #tpu.memory_space<hbm>>) dst(%arg11 : memref<80xf32, #tpu.memory_space<vmem>>)
      } else {
      }
      %add3A_110 = arith.constant 1 : i32
      %add3A_111 = arith.addi %mul3A_99, %add3A_110 : i32
      %dma_start3A_112 = arith.constant 0 : i32
      %dma_start3A_113 = tpu.memref_slice %arg7[%add3A_111, %dma_start3A_112] : memref<64x80xi32, #tpu.memory_space<vmem>> -> memref<1x80xi32, #tpu.memory_space<vmem>>
      %dma_start3A_114 = tpu.memref_squeeze %dma_start3A_113 : memref<1x80xi32, #tpu.memory_space<vmem>> -> memref<80xi32, #tpu.memory_space<vmem>>
      %dma_start3A_115 = arith.constant 0 : i32
      %dma_start3A_116 = arith.constant 0 : i32
      %dma_start3A_117 = tpu.memref_slice %arg2[%dma_start3A_115, %dma_start3A_116] : memref<10000x128xf32, #tpu.memory_space<hbm>> -> memref<10000x128xf32, #tpu.memory_space<hbm>>
      tpu.enqueue_indirect_dma source(%dma_start3A_117 : memref<10000x128xf32, #tpu.memory_space<hbm>>) target(%arg10 : memref<80x128xf32, #tpu.memory_space<vmem>>) offsets(%dma_start3A_114 : memref<80xi32, #tpu.memory_space<vmem>>) semaphore(%arg16 : memref<!tpu.dma_semaphore, #tpu.memory_space<semaphore_mem>>)
      %dma_start3A_118 = arith.constant 0 : i32
      %dma_start3A_119 = tpu.memref_slice %arg8[%mul3A_99, %dma_start3A_118] : memref<64x80xi32, #tpu.memory_space<vmem>> -> memref<1x80xi32, #tpu.memory_space<vmem>>
      %dma_start3A_120 = tpu.memref_squeeze %dma_start3A_119 : memref<1x80xi32, #tpu.memory_space<vmem>> -> memref<80xi32, #tpu.memory_space<vmem>>
      %dma_start3A_121 = arith.constant 0 : i32
      %dma_start3A_122 = arith.constant 0 : i32
      %dma_start3A_123 = tpu.memref_slice %arg14[%dma_start3A_121, %dma_start3A_122] : memref<10240x128xf32, #tpu.memory_space<vmem_shared>> -> memref<10240x128xf32, #tpu.memory_space<vmem_shared>>
      tpu.enqueue_indirect_dma source(%arg9 : memref<80x128xf32, #tpu.memory_space<vmem>>) target(%dma_start3A_123 : memref<10240x128xf32, #tpu.memory_space<vmem_shared>>) offsets(%dma_start3A_120 : memref<80xi32, #tpu.memory_space<vmem>>) semaphore(%arg17 : memref<!tpu.dma_semaphore, #tpu.memory_space<semaphore_mem>>) {add = true}
      %dma_start3A_124 = arith.constant 0 : i32
      %dma_start3A_125 = tpu.memref_slice %arg8[%mul3A_99, %dma_start3A_124] : memref<64x80xi32, #tpu.memory_space<vmem>> -> memref<1x80xi32, #tpu.memory_space<vmem>>
      %dma_start3A_126 = tpu.memref_squeeze %dma_start3A_125 : memref<1x80xi32, #tpu.memory_space<vmem>> -> memref<80xi32, #tpu.memory_space<vmem>>
      %dma_start3A_127 = arith.constant 0 : i32
      %dma_start3A_128 = tpu.memref_slice %arg15[%dma_start3A_127] : memref<10240xf32, #tpu.memory_space<vmem_shared>> -> memref<10240xf32, #tpu.memory_space<vmem_shared>>
      tpu.enqueue_indirect_dma source(%arg11 : memref<80xf32, #tpu.memory_space<vmem>>) target(%dma_start3A_128 : memref<10240xf32, #tpu.memory_space<vmem_shared>>) offsets(%dma_start3A_126 : memref<80xi32, #tpu.memory_space<vmem>>) semaphore(%arg18 : memref<!tpu.dma_semaphore, #tpu.memory_space<semaphore_mem>>) {add = true}
      %add3A_129 = arith.constant 1 : i32
      %add3A_130 = arith.addi %mul3A_99, %add3A_129 : i32
      %dma_wait3A_131 = arith.constant 0 : i32
      %dma_wait3A_132 = tpu.memref_slice %arg7[%add3A_130, %dma_wait3A_131] : memref<64x80xi32, #tpu.memory_space<vmem>> -> memref<1x80xi32, #tpu.memory_space<vmem>>
      %dma_wait3A_133 = tpu.memref_squeeze %dma_wait3A_132 : memref<1x80xi32, #tpu.memory_space<vmem>> -> memref<80xi32, #tpu.memory_space<vmem>>
      %dma_wait3A_134 = arith.constant 0 : i32
      %dma_wait3A_135 = arith.constant 0 : i32
      %dma_wait3A_136 = tpu.memref_slice %arg2[%dma_wait3A_134, %dma_wait3A_135] : memref<10000x128xf32, #tpu.memory_space<hbm>> -> memref<10000x128xf32, #tpu.memory_space<hbm>>
      tpu.wait_indirect_dma semaphore(%arg16 : memref<!tpu.dma_semaphore, #tpu.memory_space<semaphore_mem>>) src(%dma_wait3A_136 : memref<10000x128xf32, #tpu.memory_space<hbm>>) dst(%arg10 : memref<80x128xf32, #tpu.memory_space<vmem>>)
      %dma_wait3A_137 = arith.constant 0 : i32
      %dma_wait3A_138 = arith.constant 0 : i32
      %dma_wait3A_139 = tpu.memref_slice %arg7[%dma_wait3A_137, %dma_wait3A_138] : memref<64x80xi32, #tpu.memory_space<vmem>> -> memref<1x80xi32, #tpu.memory_space<vmem>>
      %dma_wait3A_140 = tpu.memref_squeeze %dma_wait3A_139 : memref<1x80xi32, #tpu.memory_space<vmem>> -> memref<80xi32, #tpu.memory_space<vmem>>
      %dma_wait3A_141 = arith.constant 0 : i32
      %dma_wait3A_142 = arith.constant 0 : i32
      %dma_wait3A_143 = tpu.memref_slice %arg2[%dma_wait3A_141, %dma_wait3A_142] : memref<10000x128xf32, #tpu.memory_space<hbm>> -> memref<10000x128xf32, #tpu.memory_space<hbm>>
      tpu.wait_indirect_dma semaphore(%arg17 : memref<!tpu.dma_semaphore, #tpu.memory_space<semaphore_mem>>) src(%dma_wait3A_143 : memref<10000x128xf32, #tpu.memory_space<hbm>>) dst(%arg9 : memref<80x128xf32, #tpu.memory_space<vmem>>)
      %dma_wait3A_144 = arith.constant 0 : i32
      %dma_wait3A_145 = arith.constant 0 : i32
      %dma_wait3A_146 = tpu.memref_slice %arg2[%dma_wait3A_144, %dma_wait3A_145] : memref<10000x128xf32, #tpu.memory_space<hbm>> -> memref<1x80xf32, #tpu.memory_space<hbm>>
      %dma_wait3A_147 = tpu.memref_squeeze %dma_wait3A_146 : memref<1x80xf32, #tpu.memory_space<hbm>> -> memref<80xf32, #tpu.memory_space<hbm>>
      %dma_wait3A_148 = arith.constant 0 : i32
      %dma_wait3A_149 = tpu.memref_slice %arg2[%dma_wait3A_144, %dma_wait3A_148] : memref<10000x128xf32, #tpu.memory_space<hbm>> -> memref<1x80xf32, #tpu.memory_space<hbm>>
      %dma_wait3A_150 = tpu.memref_squeeze %dma_wait3A_149 : memref<1x80xf32, #tpu.memory_space<hbm>> -> memref<80xf32, #tpu.memory_space<hbm>>
      tpu.wait_dma2 semaphore(%arg18 : memref<!tpu.dma_semaphore, #tpu.memory_space<semaphore_mem>>) src(%dma_wait3A_150 : memref<80xf32, #tpu.memory_space<hbm>>) dst(%arg11 : memref<80xf32, #tpu.memory_space<vmem>>)
      %lt3A_151 = arith.constant 31 : i32
      %lt3A_152 = arith.cmpi slt, %scan3A_97, %lt3A_151 : i32
      %convert_element_type3A_153 = arith.extui %lt3A_152 : i1 to i32
      %cond3A_154 = arith.constant 0 : i32
      %cond3A_155 = arith.cmpi ne, %convert_element_type3A_153, %cond3A_154 : i32
      scf.if %cond3A_155 {
        %add3A_169 = arith.constant 2 : i32
        %add3A_170 = arith.addi %mul3A_99, %add3A_169 : i32
        %dma_start3A_171 = arith.constant 0 : i32
        %dma_start3A_172 = tpu.memref_slice %arg7[%add3A_170, %dma_start3A_171] : memref<64x80xi32, #tpu.memory_space<vmem>> -> memref<1x80xi32, #tpu.memory_space<vmem>>
        %dma_start3A_173 = tpu.memref_squeeze %dma_start3A_172 : memref<1x80xi32, #tpu.memory_space<vmem>> -> memref<80xi32, #tpu.memory_space<vmem>>
        %dma_start3A_174 = arith.constant 0 : i32
        %dma_start3A_175 = arith.constant 0 : i32
        %dma_start3A_176 = tpu.memref_slice %arg2[%dma_start3A_174, %dma_start3A_175] : memref<10000x128xf32, #tpu.memory_space<hbm>> -> memref<10000x128xf32, #tpu.memory_space<hbm>>
        tpu.enqueue_indirect_dma source(%dma_start3A_176 : memref<10000x128xf32, #tpu.memory_space<hbm>>) target(%arg9 : memref<80x128xf32, #tpu.memory_space<vmem>>) offsets(%dma_start3A_173 : memref<80xi32, #tpu.memory_space<vmem>>) semaphore(%arg16 : memref<!tpu.dma_semaphore, #tpu.memory_space<semaphore_mem>>)
      } else {
      }
      %add3A_156 = arith.constant 1 : i32
      %add3A_157 = arith.addi %mul3A_99, %add3A_156 : i32
      %dma_start3A_158 = arith.constant 0 : i32
      %dma_start3A_159 = tpu.memref_slice %arg8[%add3A_157, %dma_start3A_158] : memref<64x80xi32, #tpu.memory_space<vmem>> -> memref<1x80xi32, #tpu.memory_space<vmem>>
      %dma_start3A_160 = tpu.memref_squeeze %dma_start3A_159 : memref<1x80xi32, #tpu.memory_space<vmem>> -> memref<80xi32, #tpu.memory_space<vmem>>
      %dma_start3A_161 = arith.constant 0 : i32
      %dma_start3A_162 = arith.constant 0 : i32
      %dma_start3A_163 = tpu.memref_slice %arg14[%dma_start3A_161, %dma_start3A_162] : memref<10240x128xf32, #tpu.memory_space<vmem_shared>> -> memref<10240x128xf32, #tpu.memory_space<vmem_shared>>
      tpu.enqueue_indirect_dma source(%arg10 : memref<80x128xf32, #tpu.memory_space<vmem>>) target(%dma_start3A_163 : memref<10240x128xf32, #tpu.memory_space<vmem_shared>>) offsets(%dma_start3A_160 : memref<80xi32, #tpu.memory_space<vmem>>) semaphore(%arg17 : memref<!tpu.dma_semaphore, #tpu.memory_space<semaphore_mem>>) {add = true}
      %dma_start3A_164 = arith.constant 0 : i32
      %dma_start3A_165 = tpu.memref_slice %arg8[%add3A_157, %dma_start3A_164] : memref<64x80xi32, #tpu.memory_space<vmem>> -> memref<1x80xi32, #tpu.memory_space<vmem>>
      %dma_start3A_166 = tpu.memref_squeeze %dma_start3A_165 : memref<1x80xi32, #tpu.memory_space<vmem>> -> memref<80xi32, #tpu.memory_space<vmem>>
      %dma_start3A_167 = arith.constant 0 : i32
      %dma_start3A_168 = tpu.memref_slice %arg15[%dma_start3A_167] : memref<10240xf32, #tpu.memory_space<vmem_shared>> -> memref<10240xf32, #tpu.memory_space<vmem_shared>>
      tpu.enqueue_indirect_dma source(%arg11 : memref<80xf32, #tpu.memory_space<vmem>>) target(%dma_start3A_168 : memref<10240xf32, #tpu.memory_space<vmem_shared>>) offsets(%dma_start3A_166 : memref<80xi32, #tpu.memory_space<vmem>>) semaphore(%arg18 : memref<!tpu.dma_semaphore, #tpu.memory_space<semaphore_mem>>) {add = true}
    }
    %scan3A_76 = arith.constant 32 : i32
    %dma_wait3A_77 = arith.constant 0 : i32
    %dma_wait3A_78 = arith.constant 0 : i32
    %dma_wait3A_79 = tpu.memref_slice %arg7[%dma_wait3A_77, %dma_wait3A_78] : memref<64x80xi32, #tpu.memory_space<vmem>> -> memref<1x80xi32, #tpu.memory_space<vmem>>
    %dma_wait3A_80 = tpu.memref_squeeze %dma_wait3A_79 : memref<1x80xi32, #tpu.memory_space<vmem>> -> memref<80xi32, #tpu.memory_space<vmem>>
    %dma_wait3A_81 = arith.constant 0 : i32
    %dma_wait3A_82 = arith.constant 0 : i32
    %dma_wait3A_83 = tpu.memref_slice %arg2[%dma_wait3A_81, %dma_wait3A_82] : memref<10000x128xf32, #tpu.memory_space<hbm>> -> memref<10000x128xf32, #tpu.memory_space<hbm>>
    tpu.wait_indirect_dma semaphore(%arg17 : memref<!tpu.dma_semaphore, #tpu.memory_space<semaphore_mem>>) src(%dma_wait3A_83 : memref<10000x128xf32, #tpu.memory_space<hbm>>) dst(%arg10 : memref<80x128xf32, #tpu.memory_space<vmem>>)
    %dma_wait3A_84 = arith.constant 0 : i32
    %dma_wait3A_85 = arith.constant 0 : i32
    %dma_wait3A_86 = tpu.memref_slice %arg2[%dma_wait3A_84, %dma_wait3A_85] : memref<10000x128xf32, #tpu.memory_space<hbm>> -> memref<1x80xf32, #tpu.memory_space<hbm>>
    %dma_wait3A_87 = tpu.memref_squeeze %dma_wait3A_86 : memref<1x80xf32, #tpu.memory_space<hbm>> -> memref<80xf32, #tpu.memory_space<hbm>>
    %dma_wait3A_88 = arith.constant 0 : i32
    %dma_wait3A_89 = tpu.memref_slice %arg2[%dma_wait3A_84, %dma_wait3A_88] : memref<10000x128xf32, #tpu.memory_space<hbm>> -> memref<1x80xf32, #tpu.memory_space<hbm>>
    %dma_wait3A_90 = tpu.memref_squeeze %dma_wait3A_89 : memref<1x80xf32, #tpu.memory_space<hbm>> -> memref<80xf32, #tpu.memory_space<hbm>>
    tpu.wait_dma2 semaphore(%arg18 : memref<!tpu.dma_semaphore, #tpu.memory_space<semaphore_mem>>) src(%dma_wait3A_90 : memref<80xf32, #tpu.memory_space<hbm>>) dst(%arg11 : memref<80xf32, #tpu.memory_space<vmem>>)
    %barrier3A_91 = arith.constant 0 : index
    tpu.barrier barrier_id(%barrier3A_91)
    %lt3A_92 = arith.constant 10 : i32
    %lt3A_93 = arith.cmpi slt, %arg1, %lt3A_92 : i32
    %convert_element_type3A_94 = arith.extui %lt3A_93 : i1 to i32
    %cond3A_95 = arith.constant 0 : i32
    %cond3A_96 = arith.cmpi ne, %convert_element_type3A_94, %cond3A_95 : i32
    scf.if %cond3A_96 {
      %mul3A_97 = arith.constant 1000 : i32
      %mul3A_98 = arith.muli %arg1, %mul3A_97 : i32
      %mul3A_99 = arith.constant 1000 : i32
      %mul3A_100 = arith.muli %arg1, %mul3A_99 : i32
      "tpu.region"() ({
        %run_scoped3A_108 = tpu.sem_alloc : memref<!tpu.dma_semaphore, #tpu.memory_space<semaphore_mem>>
        %dma_start3A_109 = arith.constant 0 : i32
        %dma_start3A_110 = tpu.memref_slice %arg5[%arg0, %mul3A_100, %dma_start3A_109] : memref<2x10000x128xf32, #tpu.memory_space<hbm>> -> memref<1x1000x128xf32, #tpu.memory_space<hbm>>
        %dma_start3A_111 = tpu.memref_squeeze %dma_start3A_110 : memref<1x1000x128xf32, #tpu.memory_space<hbm>> -> memref<1000x128xf32, #tpu.memory_space<hbm>>
        %dma_start3A_112 = arith.constant 0 : i32
        %dma_start3A_113 = tpu.memref_slice %arg14[%mul3A_98, %dma_start3A_112] : memref<10240x128xf32, #tpu.memory_space<vmem_shared>> -> memref<1000x128xf32, #tpu.memory_space<vmem_shared>>
        tpu.enqueue_dma source(%dma_start3A_113 : memref<1000x128xf32, #tpu.memory_space<vmem_shared>>) target(%dma_start3A_111 : memref<1000x128xf32, #tpu.memory_space<hbm>>) target_semaphore(%run_scoped3A_108 : memref<!tpu.dma_semaphore, #tpu.memory_space<semaphore_mem>>)
        %dma_wait3A_114 = arith.constant 0 : i32
        %dma_wait3A_115 = tpu.memref_slice %arg5[%arg0, %mul3A_100, %dma_wait3A_114] : memref<2x10000x128xf32, #tpu.memory_space<hbm>> -> memref<1x1000x128xf32, #tpu.memory_space<hbm>>
        %dma_wait3A_116 = tpu.memref_squeeze %dma_wait3A_115 : memref<1x1000x128xf32, #tpu.memory_space<hbm>> -> memref<1000x128xf32, #tpu.memory_space<hbm>>
        %dma_wait3A_117 = arith.constant 0 : i32
        %dma_wait3A_118 = tpu.memref_slice %arg14[%mul3A_98, %dma_wait3A_117] : memref<10240x128xf32, #tpu.memory_space<vmem_shared>> -> memref<1000x128xf32, #tpu.memory_space<vmem_shared>>
        tpu.wait_dma2 semaphore(%run_scoped3A_108 : memref<!tpu.dma_semaphore, #tpu.memory_space<semaphore_mem>>) src(%dma_wait3A_118 : memref<1000x128xf32, #tpu.memory_space<vmem_shared>>) dst(%dma_wait3A_116 : memref<1000x128xf32, #tpu.memory_space<hbm>>)
        tpu.yield
      }) : () -> ()
      %mul3A_101 = arith.constant 1024 : i32
      %mul3A_102 = arith.muli %arg1, %mul3A_101 : i32
      %mul3A_103 = arith.constant 10240 : i32
      %mul3A_104 = arith.muli %arg0, %mul3A_103 : i32
      %mul3A_105 = arith.constant 1024 : i32
      %mul3A_106 = arith.muli %arg1, %mul3A_105 : i32
      %add3A_107 = arith.addi %mul3A_104, %mul3A_106 : i32
      "tpu.region"() ({
        %run_scoped3A_108 = tpu.sem_alloc : memref<!tpu.dma_semaphore, #tpu.memory_space<semaphore_mem>>
        %dma_start3A_109 = tpu.memref_slice %arg6[%add3A_107] : memref<20480xf32, #tpu.memory_space<hbm>> -> memref<1024xf32, #tpu.memory_space<hbm>>
        %dma_start3A_110 = tpu.memref_slice %arg15[%mul3A_102] : memref<10240xf32, #tpu.memory_space<vmem_shared>> -> memref<1024xf32, #tpu.memory_space<vmem_shared>>
        tpu.enqueue_dma source(%dma_start3A_110 : memref<1024xf32, #tpu.memory_space<vmem_shared>>) target(%dma_start3A_109 : memref<1024xf32, #tpu.memory_space<hbm>>) target_semaphore(%run_scoped3A_108 : memref<!tpu.dma_semaphore, #tpu.memory_space<semaphore_mem>>)
        %dma_wait3A_111 = tpu.memref_slice %arg6[%add3A_107] : memref<20480xf32, #tpu.memory_space<hbm>> -> memref<1024xf32, #tpu.memory_space<hbm>>
        %dma_wait3A_112 = tpu.memref_slice %arg15[%mul3A_102] : memref<10240xf32, #tpu.memory_space<vmem_shared>> -> memref<1024xf32, #tpu.memory_space<vmem_shared>>
        tpu.wait_dma2 semaphore(%run_scoped3A_108 : memref<!tpu.dma_semaphore, #tpu.memory_space<semaphore_mem>>) src(%dma_wait3A_112 : memref<1024xf32, #tpu.memory_space<vmem_shared>>) dst(%dma_wait3A_111 : memref<1024xf32, #tpu.memory_space<hbm>>)
        tpu.yield
      }) : () -> ()
    } else {
    }
    return
  }
}

#map = affine_map<(d0, d1) -> (0, 0)>
#map1 = affine_map<(d0, d1) -> (0, 0, 0, 0)>
#map2 = affine_map<(d0, d1) -> (0, 0, 0)>
module attributes {stable_mosaic.version = 14 : i64} {
  func.func @body(%arg0: i32, %arg1: i32, %arg2: memref<10000x128xf32, #tpu.memory_space<hbm>>, %arg3: memref<32x2x64x80xi32, #tpu.memory_space<hbm>>, %arg4: memref<32x2x64x80xi32, #tpu.memory_space<hbm>>, %arg5: memref<2x10000x128xf32, #tpu.memory_space<hbm>>, %arg6: memref<64x80xi32, #tpu.memory_space<vmem>>, %arg7: memref<64x80xi32, #tpu.memory_space<vmem>>, %arg8: memref<80x128xf32, #tpu.memory_space<vmem>>, %arg9: memref<80x128xf32, #tpu.memory_space<vmem>>, %arg10: memref<16x128xf32, #tpu.memory_space<vmem>>, %arg11: memref<10240x128xf32, #tpu.memory_space<vmem_shared>>, %arg12: memref<!tpu.dma_semaphore, #tpu.memory_space<semaphore_mem>>, %arg13: memref<!tpu.dma_semaphore, #tpu.memory_space<semaphore_mem>>) attributes {dimension_semantics = [#tpu.dimension_semantics<core_parallel>, #tpu.dimension_semantics<subcore_parallel>], iteration_bounds = array<i64: 2, 16>, scalar_prefetch = 0 : i64, scratch_operands = 8 : i64, tpu.core_type = #tpu.core_type<sc_vector_subcore>, window_params = [{transform_indices = #map}, {transform_indices = #map1}, {transform_indices = #map1}, {transform_indices = #map2}]} {
    %mul3A = arith.constant 2 : i32
    %mul3A_0 = arith.muli %arg1, %mul3A : i32
    %add3A = arith.addi %mul3A_0, %arg0 : i32
    %broadcast_in_dim3A = arith.constant 0.000000e+00 : f32
    %broadcast_in_dim3A_1 = vector.broadcast %broadcast_in_dim3A : f32 to vector<16xf32>
    %scan3A = arith.constant 0 : i32
    %scan3A_2 = arith.constant 0 : i32
    %scan3A_3 = arith.constant 16 : i32
    %scan3A_4 = arith.addi %scan3A_2, %scan3A_3 : i32
    %scan3A_5 = arith.constant 1 : i32
    scf.for %scan3A_56 = %scan3A_2 to %scan3A_4 step %scan3A_5  : i32 {
      %swap3A = arith.index_cast %scan3A_56 : i32 to index
      %swap3A_57 = arith.constant 0 : index
      %swap3A_58 = tpu.vector_load %arg10[%swap3A, %swap3A_57] {strides = array<i32>} : memref<16x128xf32, #tpu.memory_space<vmem>>, vector<1x16xf32>,
      %swap3A_59 = vector.shape_cast %swap3A_58 : vector<1x16xf32> to vector<16xf32>
      %swap3A_60 = vector.shape_cast %broadcast_in_dim3A_1 : vector<16xf32> to vector<1x16xf32>
      tpu.vector_store %arg10[%swap3A, %swap3A_57], %swap3A_60 {strides = array<i32>} : memref<16x128xf32, #tpu.memory_space<vmem>>, vector<1x16xf32>,
      %swap3A_61 = arith.index_cast %scan3A_56 : i32 to index
      %swap3A_62 = arith.constant 16 : index
      %swap3A_63 = tpu.vector_load %arg10[%swap3A_61, %swap3A_62] {strides = array<i32>} : memref<16x128xf32, #tpu.memory_space<vmem>>, vector<1x16xf32>,
      %swap3A_64 = vector.shape_cast %swap3A_63 : vector<1x16xf32> to vector<16xf32>
      %swap3A_65 = vector.shape_cast %broadcast_in_dim3A_1 : vector<16xf32> to vector<1x16xf32>
      tpu.vector_store %arg10[%swap3A_61, %swap3A_62], %swap3A_65 {strides = array<i32>} : memref<16x128xf32, #tpu.memory_space<vmem>>, vector<1x16xf32>,
      %swap3A_66 = arith.index_cast %scan3A_56 : i32 to index
      %swap3A_67 = arith.constant 32 : index
      %swap3A_68 = tpu.vector_load %arg10[%swap3A_66, %swap3A_67] {strides = array<i32>} : memref<16x128xf32, #tpu.memory_space<vmem>>, vector<1x16xf32>,
      %swap3A_69 = vector.shape_cast %swap3A_68 : vector<1x16xf32> to vector<16xf32>
      %swap3A_70 = vector.shape_cast %broadcast_in_dim3A_1 : vector<16xf32> to vector<1x16xf32>
      tpu.vector_store %arg10[%swap3A_66, %swap3A_67], %swap3A_70 {strides = array<i32>} : memref<16x128xf32, #tpu.memory_space<vmem>>, vector<1x16xf32>,
      %swap3A_71 = arith.index_cast %scan3A_56 : i32 to index
      %swap3A_72 = arith.constant 48 : index
      %swap3A_73 = tpu.vector_load %arg10[%swap3A_71, %swap3A_72] {strides = array<i32>} : memref<16x128xf32, #tpu.memory_space<vmem>>, vector<1x16xf32>,
      %swap3A_74 = vector.shape_cast %swap3A_73 : vector<1x16xf32> to vector<16xf32>
      %swap3A_75 = vector.shape_cast %broadcast_in_dim3A_1 : vector<16xf32> to vector<1x16xf32>
      tpu.vector_store %arg10[%swap3A_71, %swap3A_72], %swap3A_75 {strides = array<i32>} : memref<16x128xf32, #tpu.memory_space<vmem>>, vector<1x16xf32>,
      %swap3A_76 = arith.index_cast %scan3A_56 : i32 to index
      %swap3A_77 = arith.constant 64 : index
      %swap3A_78 = tpu.vector_load %arg10[%swap3A_76, %swap3A_77] {strides = array<i32>} : memref<16x128xf32, #tpu.memory_space<vmem>>, vector<1x16xf32>,
      %swap3A_79 = vector.shape_cast %swap3A_78 : vector<1x16xf32> to vector<16xf32>
      %swap3A_80 = vector.shape_cast %broadcast_in_dim3A_1 : vector<16xf32> to vector<1x16xf32>
      tpu.vector_store %arg10[%swap3A_76, %swap3A_77], %swap3A_80 {strides = array<i32>} : memref<16x128xf32, #tpu.memory_space<vmem>>, vector<1x16xf32>,
      %swap3A_81 = arith.index_cast %scan3A_56 : i32 to index
      %swap3A_82 = arith.constant 80 : index
      %swap3A_83 = tpu.vector_load %arg10[%swap3A_81, %swap3A_82] {strides = array<i32>} : memref<16x128xf32, #tpu.memory_space<vmem>>, vector<1x16xf32>,
      %swap3A_84 = vector.shape_cast %swap3A_83 : vector<1x16xf32> to vector<16xf32>
      %swap3A_85 = vector.shape_cast %broadcast_in_dim3A_1 : vector<16xf32> to vector<1x16xf32>
      tpu.vector_store %arg10[%swap3A_81, %swap3A_82], %swap3A_85 {strides = array<i32>} : memref<16x128xf32, #tpu.memory_space<vmem>>, vector<1x16xf32>,
      %swap3A_86 = arith.index_cast %scan3A_56 : i32 to index
      %swap3A_87 = arith.constant 96 : index
      %swap3A_88 = tpu.vector_load %arg10[%swap3A_86, %swap3A_87] {strides = array<i32>} : memref<16x128xf32, #tpu.memory_space<vmem>>, vector<1x16xf32>,
      %swap3A_89 = vector.shape_cast %swap3A_88 : vector<1x16xf32> to vector<16xf32>
      %swap3A_90 = vector.shape_cast %broadcast_in_dim3A_1 : vector<16xf32> to vector<1x16xf32>
      tpu.vector_store %arg10[%swap3A_86, %swap3A_87], %swap3A_90 {strides = array<i32>} : memref<16x128xf32, #tpu.memory_space<vmem>>, vector<1x16xf32>,
      %swap3A_91 = arith.index_cast %scan3A_56 : i32 to index
      %swap3A_92 = arith.constant 112 : index
      %swap3A_93 = tpu.vector_load %arg10[%swap3A_91, %swap3A_92] {strides = array<i32>} : memref<16x128xf32, #tpu.memory_space<vmem>>, vector<1x16xf32>,
      %swap3A_94 = vector.shape_cast %swap3A_93 : vector<1x16xf32> to vector<16xf32>
      %swap3A_95 = vector.shape_cast %broadcast_in_dim3A_1 : vector<16xf32> to vector<1x16xf32>
      tpu.vector_store %arg10[%swap3A_91, %swap3A_92], %swap3A_95 {strides = array<i32>} : memref<16x128xf32, #tpu.memory_space<vmem>>, vector<1x16xf32>,
    }
    %scan3A_6 = arith.constant 16 : i32
    %lt3A = arith.constant 10 : i32
    %lt3A_7 = arith.cmpi slt, %arg1, %lt3A : i32
    %convert_element_type3A = arith.extui %lt3A_7 : i1 to i32
    %cond3A = arith.constant 0 : i32
    %cond3A_8 = arith.cmpi ne, %convert_element_type3A, %cond3A : i32
    scf.if %cond3A_8 {
      %scan3A_56 = arith.constant 0 : i32
      %scan3A_57 = arith.constant 0 : i32
      %scan3A_58 = arith.constant 64 : i32
      %scan3A_59 = arith.addi %scan3A_57, %scan3A_58 : i32
      %scan3A_60 = arith.constant 1 : i32
      scf.for %scan3A_62 = %scan3A_57 to %scan3A_59 step %scan3A_60  : i32 {
        %mul3A_63 = arith.constant 1024 : i32
        %mul3A_64 = arith.muli %arg1, %mul3A_63 : i32
        %mul3A_65 = arith.constant 16 : i32
        %mul3A_66 = arith.muli %scan3A_62, %mul3A_65 : i32
        %add3A_67 = arith.addi %mul3A_64, %mul3A_66 : i32
        "tpu.region"() ({
          %run_scoped3A_68 = tpu.sem_alloc : memref<!tpu.dma_semaphore, #tpu.memory_space<semaphore_mem>>
          %dma_start3A_69 = arith.constant 0 : i32
          %dma_start3A_70 = tpu.memref_slice %arg11[%add3A_67, %dma_start3A_69] : memref<10240x128xf32, #tpu.memory_space<vmem_shared>> -> memref<16x128xf32, #tpu.memory_space<vmem_shared>>
          %dma_start3A_71 = arith.constant 0 : i32
          %dma_start3A_72 = tpu.memref_slice %arg11[%add3A_67, %dma_start3A_71] : memref<10240x128xf32, #tpu.memory_space<vmem_shared>> -> memref<16x128xf32, #tpu.memory_space<vmem_shared>>
          tpu.enqueue_dma source(%arg10 : memref<16x128xf32, #tpu.memory_space<vmem>>) target(%dma_start3A_72 : memref<16x128xf32, #tpu.memory_space<vmem_shared>>) target_semaphore(%run_scoped3A_68 : memref<!tpu.dma_semaphore, #tpu.memory_space<semaphore_mem>>)
          %dma_wait3A_73 = arith.constant 0 : i32
          %dma_wait3A_74 = tpu.memref_slice %arg11[%add3A_67, %dma_wait3A_73] : memref<10240x128xf32, #tpu.memory_space<vmem_shared>> -> memref<16x128xf32, #tpu.memory_space<vmem_shared>>
          %dma_wait3A_75 = arith.constant 0 : i32
          %dma_wait3A_76 = tpu.memref_slice %arg11[%add3A_67, %dma_wait3A_75] : memref<10240x128xf32, #tpu.memory_space<vmem_shared>> -> memref<16x128xf32, #tpu.memory_space<vmem_shared>>
          tpu.wait_dma2 semaphore(%run_scoped3A_68 : memref<!tpu.dma_semaphore, #tpu.memory_space<semaphore_mem>>) src(%arg10 : memref<16x128xf32, #tpu.memory_space<vmem>>) dst(%dma_wait3A_76 : memref<16x128xf32, #tpu.memory_space<vmem_shared>>)
          tpu.yield
        }) : () -> ()
      }
      %scan3A_61 = arith.constant 64 : i32
    } else {
    }
    %barrier3A = arith.constant 0 : index
    tpu.barrier barrier_id(%barrier3A)
    %run_scoped3A = arith.constant 0 : i32
    "tpu.region"() ({
      %run_scoped3A_56 = tpu.sem_alloc : memref<!tpu.dma_semaphore, #tpu.memory_space<semaphore_mem>>
      %dma_start3A_57 = arith.constant 0 : i32
      %dma_start3A_58 = arith.constant 0 : i32
      %dma_start3A_59 = tpu.memref_slice %arg3[%add3A, %run_scoped3A, %dma_start3A_57, %dma_start3A_58] : memref<32x2x64x80xi32, #tpu.memory_space<hbm>> -> memref<1x1x64x80xi32, #tpu.memory_space<hbm>>
      %dma_start3A_60 = tpu.memref_squeeze %dma_start3A_59 : memref<1x1x64x80xi32, #tpu.memory_space<hbm>> -> memref<64x80xi32, #tpu.memory_space<hbm>>
      %dma_start3A_61 = arith.constant 0 : i32
      %dma_start3A_62 = arith.constant 0 : i32
      %dma_start3A_63 = tpu.memref_slice %arg3[%add3A, %run_scoped3A, %dma_start3A_61, %dma_start3A_62] : memref<32x2x64x80xi32, #tpu.memory_space<hbm>> -> memref<1x1x64x80xi32, #tpu.memory_space<hbm>>
      %dma_start3A_64 = tpu.memref_squeeze %dma_start3A_63 : memref<1x1x64x80xi32, #tpu.memory_space<hbm>> -> memref<64x80xi32, #tpu.memory_space<hbm>>
      tpu.enqueue_dma source(%dma_start3A_64 : memref<64x80xi32, #tpu.memory_space<hbm>>) target(%arg6 : memref<64x80xi32, #tpu.memory_space<vmem>>) target_semaphore(%run_scoped3A_56 : memref<!tpu.dma_semaphore, #tpu.memory_space<semaphore_mem>>)
      %dma_wait3A_65 = arith.constant 0 : i32
      %dma_wait3A_66 = arith.constant 0 : i32
      %dma_wait3A_67 = tpu.memref_slice %arg3[%add3A, %run_scoped3A, %dma_wait3A_65, %dma_wait3A_66] : memref<32x2x64x80xi32, #tpu.memory_space<hbm>> -> memref<1x1x64x80xi32, #tpu.memory_space<hbm>>
      %dma_wait3A_68 = tpu.memref_squeeze %dma_wait3A_67 : memref<1x1x64x80xi32, #tpu.memory_space<hbm>> -> memref<64x80xi32, #tpu.memory_space<hbm>>
      %dma_wait3A_69 = arith.constant 0 : i32
      %dma_wait3A_70 = arith.constant 0 : i32
      %dma_wait3A_71 = tpu.memref_slice %arg3[%add3A, %run_scoped3A, %dma_wait3A_69, %dma_wait3A_70] : memref<32x2x64x80xi32, #tpu.memory_space<hbm>> -> memref<1x1x64x80xi32, #tpu.memory_space<hbm>>
      %dma_wait3A_72 = tpu.memref_squeeze %dma_wait3A_71 : memref<1x1x64x80xi32, #tpu.memory_space<hbm>> -> memref<64x80xi32, #tpu.memory_space<hbm>>
      tpu.wait_dma2 semaphore(%run_scoped3A_56 : memref<!tpu.dma_semaphore, #tpu.memory_space<semaphore_mem>>) src(%dma_wait3A_72 : memref<64x80xi32, #tpu.memory_space<hbm>>) dst(%arg6 : memref<64x80xi32, #tpu.memory_space<vmem>>)
      tpu.yield
    }) : () -> ()
    %run_scoped3A_9 = arith.constant 0 : i32
    "tpu.region"() ({
      %run_scoped3A_56 = tpu.sem_alloc : memref<!tpu.dma_semaphore, #tpu.memory_space<semaphore_mem>>
      %dma_start3A_57 = arith.constant 0 : i32
      %dma_start3A_58 = arith.constant 0 : i32
      %dma_start3A_59 = tpu.memref_slice %arg4[%add3A, %run_scoped3A_9, %dma_start3A_57, %dma_start3A_58] : memref<32x2x64x80xi32, #tpu.memory_space<hbm>> -> memref<1x1x64x80xi32, #tpu.memory_space<hbm>>
      %dma_start3A_60 = tpu.memref_squeeze %dma_start3A_59 : memref<1x1x64x80xi32, #tpu.memory_space<hbm>> -> memref<64x80xi32, #tpu.memory_space<hbm>>
      %dma_start3A_61 = arith.constant 0 : i32
      %dma_start3A_62 = arith.constant 0 : i32
      %dma_start3A_63 = tpu.memref_slice %arg4[%add3A, %run_scoped3A_9, %dma_start3A_61, %dma_start3A_62] : memref<32x2x64x80xi32, #tpu.memory_space<hbm>> -> memref<1x1x64x80xi32, #tpu.memory_space<hbm>>
      %dma_start3A_64 = tpu.memref_squeeze %dma_start3A_63 : memref<1x1x64x80xi32, #tpu.memory_space<hbm>> -> memref<64x80xi32, #tpu.memory_space<hbm>>
      tpu.enqueue_dma source(%dma_start3A_64 : memref<64x80xi32, #tpu.memory_space<hbm>>) target(%arg7 : memref<64x80xi32, #tpu.memory_space<vmem>>) target_semaphore(%run_scoped3A_56 : memref<!tpu.dma_semaphore, #tpu.memory_space<semaphore_mem>>)
      %dma_wait3A_65 = arith.constant 0 : i32
      %dma_wait3A_66 = arith.constant 0 : i32
      %dma_wait3A_67 = tpu.memref_slice %arg4[%add3A, %run_scoped3A_9, %dma_wait3A_65, %dma_wait3A_66] : memref<32x2x64x80xi32, #tpu.memory_space<hbm>> -> memref<1x1x64x80xi32, #tpu.memory_space<hbm>>
      %dma_wait3A_68 = tpu.memref_squeeze %dma_wait3A_67 : memref<1x1x64x80xi32, #tpu.memory_space<hbm>> -> memref<64x80xi32, #tpu.memory_space<hbm>>
      %dma_wait3A_69 = arith.constant 0 : i32
      %dma_wait3A_70 = arith.constant 0 : i32
      %dma_wait3A_71 = tpu.memref_slice %arg4[%add3A, %run_scoped3A_9, %dma_wait3A_69, %dma_wait3A_70] : memref<32x2x64x80xi32, #tpu.memory_space<hbm>> -> memref<1x1x64x80xi32, #tpu.memory_space<hbm>>
      %dma_wait3A_72 = tpu.memref_squeeze %dma_wait3A_71 : memref<1x1x64x80xi32, #tpu.memory_space<hbm>> -> memref<64x80xi32, #tpu.memory_space<hbm>>
      tpu.wait_dma2 semaphore(%run_scoped3A_56 : memref<!tpu.dma_semaphore, #tpu.memory_space<semaphore_mem>>) src(%dma_wait3A_72 : memref<64x80xi32, #tpu.memory_space<hbm>>) dst(%arg7 : memref<64x80xi32, #tpu.memory_space<vmem>>)
      tpu.yield
    }) : () -> ()
    %dma_start3A = arith.constant 0 : i32
    %dma_start3A_10 = arith.constant 0 : i32
    %dma_start3A_11 = tpu.memref_slice %arg6[%dma_start3A, %dma_start3A_10] : memref<64x80xi32, #tpu.memory_space<vmem>> -> memref<1x80xi32, #tpu.memory_space<vmem>>
    %dma_start3A_12 = tpu.memref_squeeze %dma_start3A_11 : memref<1x80xi32, #tpu.memory_space<vmem>> -> memref<80xi32, #tpu.memory_space<vmem>>
    %dma_start3A_13 = arith.constant 0 : i32
    %dma_start3A_14 = arith.constant 0 : i32
    %dma_start3A_15 = tpu.memref_slice %arg2[%dma_start3A_13, %dma_start3A_14] : memref<10000x128xf32, #tpu.memory_space<hbm>> -> memref<10000x128xf32, #tpu.memory_space<hbm>>
    tpu.enqueue_indirect_dma source(%dma_start3A_15 : memref<10000x128xf32, #tpu.memory_space<hbm>>) target(%arg8 : memref<80x128xf32, #tpu.memory_space<vmem>>) offsets(%dma_start3A_12 : memref<80xi32, #tpu.memory_space<vmem>>) semaphore(%arg12 : memref<!tpu.dma_semaphore, #tpu.memory_space<semaphore_mem>>)
    %scan3A_16 = arith.constant 0 : i32
    %scan3A_17 = arith.constant 0 : i32
    %scan3A_18 = arith.constant 32 : i32
    %scan3A_19 = arith.addi %scan3A_17, %scan3A_18 : i32
    %scan3A_20 = arith.constant 1 : i32
    scf.for %scan3A_56 = %scan3A_17 to %scan3A_19 step %scan3A_20  : i32 {
      %mul3A_57 = arith.constant 2 : i32
      %mul3A_58 = arith.muli %mul3A_57, %scan3A_56 : i32
      %dma_wait3A_59 = arith.constant 0 : i32
      %dma_wait3A_60 = tpu.memref_slice %arg6[%mul3A_58, %dma_wait3A_59] : memref<64x80xi32, #tpu.memory_space<vmem>> -> memref<1x80xi32, #tpu.memory_space<vmem>>
      %dma_wait3A_61 = tpu.memref_squeeze %dma_wait3A_60 : memref<1x80xi32, #tpu.memory_space<vmem>> -> memref<80xi32, #tpu.memory_space<vmem>>
      %dma_wait3A_62 = arith.constant 0 : i32
      %dma_wait3A_63 = arith.constant 0 : i32
      %dma_wait3A_64 = tpu.memref_slice %arg2[%dma_wait3A_62, %dma_wait3A_63] : memref<10000x128xf32, #tpu.memory_space<hbm>> -> memref<10000x128xf32, #tpu.memory_space<hbm>>
      tpu.wait_indirect_dma semaphore(%arg12 : memref<!tpu.dma_semaphore, #tpu.memory_space<semaphore_mem>>) src(%dma_wait3A_64 : memref<10000x128xf32, #tpu.memory_space<hbm>>) dst(%arg8 : memref<80x128xf32, #tpu.memory_space<vmem>>)
      %gt3A = arith.constant 0 : i32
      %gt3A_65 = arith.cmpi sgt, %scan3A_56, %gt3A : i32
      %convert_element_type3A_66 = arith.extui %gt3A_65 : i1 to i32
      %cond3A_67 = arith.constant 0 : i32
      %cond3A_68 = arith.cmpi ne, %convert_element_type3A_66, %cond3A_67 : i32
      scf.if %cond3A_68 {
        %dma_wait3A_111 = arith.constant 0 : i32
        %dma_wait3A_112 = arith.constant 0 : i32
        %dma_wait3A_113 = tpu.memref_slice %arg6[%dma_wait3A_111, %dma_wait3A_112] : memref<64x80xi32, #tpu.memory_space<vmem>> -> memref<1x80xi32, #tpu.memory_space<vmem>>
        %dma_wait3A_114 = tpu.memref_squeeze %dma_wait3A_113 : memref<1x80xi32, #tpu.memory_space<vmem>> -> memref<80xi32, #tpu.memory_space<vmem>>
        %dma_wait3A_115 = arith.constant 0 : i32
        %dma_wait3A_116 = arith.constant 0 : i32
        %dma_wait3A_117 = tpu.memref_slice %arg2[%dma_wait3A_115, %dma_wait3A_116] : memref<10000x128xf32, #tpu.memory_space<hbm>> -> memref<10000x128xf32, #tpu.memory_space<hbm>>
        tpu.wait_indirect_dma semaphore(%arg13 : memref<!tpu.dma_semaphore, #tpu.memory_space<semaphore_mem>>) src(%dma_wait3A_117 : memref<10000x128xf32, #tpu.memory_space<hbm>>) dst(%arg9 : memref<80x128xf32, #tpu.memory_space<vmem>>)
      } else {
      }
      %add3A_69 = arith.constant 1 : i32
      %add3A_70 = arith.addi %mul3A_58, %add3A_69 : i32
      %dma_start3A_71 = arith.constant 0 : i32
      %dma_start3A_72 = tpu.memref_slice %arg6[%add3A_70, %dma_start3A_71] : memref<64x80xi32, #tpu.memory_space<vmem>> -> memref<1x80xi32, #tpu.memory_space<vmem>>
      %dma_start3A_73 = tpu.memref_squeeze %dma_start3A_72 : memref<1x80xi32, #tpu.memory_space<vmem>> -> memref<80xi32, #tpu.memory_space<vmem>>
      %dma_start3A_74 = arith.constant 0 : i32
      %dma_start3A_75 = arith.constant 0 : i32
      %dma_start3A_76 = tpu.memref_slice %arg2[%dma_start3A_74, %dma_start3A_75] : memref<10000x128xf32, #tpu.memory_space<hbm>> -> memref<10000x128xf32, #tpu.memory_space<hbm>>
      tpu.enqueue_indirect_dma source(%dma_start3A_76 : memref<10000x128xf32, #tpu.memory_space<hbm>>) target(%arg9 : memref<80x128xf32, #tpu.memory_space<vmem>>) offsets(%dma_start3A_73 : memref<80xi32, #tpu.memory_space<vmem>>) semaphore(%arg12 : memref<!tpu.dma_semaphore, #tpu.memory_space<semaphore_mem>>)
      %dma_start3A_77 = arith.constant 0 : i32
      %dma_start3A_78 = tpu.memref_slice %arg7[%mul3A_58, %dma_start3A_77] : memref<64x80xi32, #tpu.memory_space<vmem>> -> memref<1x80xi32, #tpu.memory_space<vmem>>
      %dma_start3A_79 = tpu.memref_squeeze %dma_start3A_78 : memref<1x80xi32, #tpu.memory_space<vmem>> -> memref<80xi32, #tpu.memory_space<vmem>>
      %dma_start3A_80 = arith.constant 0 : i32
      %dma_start3A_81 = arith.constant 0 : i32
      %dma_start3A_82 = tpu.memref_slice %arg11[%dma_start3A_80, %dma_start3A_81] : memref<10240x128xf32, #tpu.memory_space<vmem_shared>> -> memref<10240x128xf32, #tpu.memory_space<vmem_shared>>
      tpu.enqueue_indirect_dma source(%arg8 : memref<80x128xf32, #tpu.memory_space<vmem>>) target(%dma_start3A_82 : memref<10240x128xf32, #tpu.memory_space<vmem_shared>>) offsets(%dma_start3A_79 : memref<80xi32, #tpu.memory_space<vmem>>) semaphore(%arg13 : memref<!tpu.dma_semaphore, #tpu.memory_space<semaphore_mem>>) {add = true}
      %add3A_83 = arith.constant 1 : i32
      %add3A_84 = arith.addi %mul3A_58, %add3A_83 : i32
      %dma_wait3A_85 = arith.constant 0 : i32
      %dma_wait3A_86 = tpu.memref_slice %arg6[%add3A_84, %dma_wait3A_85] : memref<64x80xi32, #tpu.memory_space<vmem>> -> memref<1x80xi32, #tpu.memory_space<vmem>>
      %dma_wait3A_87 = tpu.memref_squeeze %dma_wait3A_86 : memref<1x80xi32, #tpu.memory_space<vmem>> -> memref<80xi32, #tpu.memory_space<vmem>>
      %dma_wait3A_88 = arith.constant 0 : i32
      %dma_wait3A_89 = arith.constant 0 : i32
      %dma_wait3A_90 = tpu.memref_slice %arg2[%dma_wait3A_88, %dma_wait3A_89] : memref<10000x128xf32, #tpu.memory_space<hbm>> -> memref<10000x128xf32, #tpu.memory_space<hbm>>
      tpu.wait_indirect_dma semaphore(%arg12 : memref<!tpu.dma_semaphore, #tpu.memory_space<semaphore_mem>>) src(%dma_wait3A_90 : memref<10000x128xf32, #tpu.memory_space<hbm>>) dst(%arg9 : memref<80x128xf32, #tpu.memory_space<vmem>>)
      %dma_wait3A_91 = arith.constant 0 : i32
      %dma_wait3A_92 = arith.constant 0 : i32
      %dma_wait3A_93 = tpu.memref_slice %arg6[%dma_wait3A_91, %dma_wait3A_92] : memref<64x80xi32, #tpu.memory_space<vmem>> -> memref<1x80xi32, #tpu.memory_space<vmem>>
      %dma_wait3A_94 = tpu.memref_squeeze %dma_wait3A_93 : memref<1x80xi32, #tpu.memory_space<vmem>> -> memref<80xi32, #tpu.memory_space<vmem>>
      %dma_wait3A_95 = arith.constant 0 : i32
      %dma_wait3A_96 = arith.constant 0 : i32
      %dma_wait3A_97 = tpu.memref_slice %arg2[%dma_wait3A_95, %dma_wait3A_96] : memref<10000x128xf32, #tpu.memory_space<hbm>> -> memref<10000x128xf32, #tpu.memory_space<hbm>>
      tpu.wait_indirect_dma semaphore(%arg13 : memref<!tpu.dma_semaphore, #tpu.memory_space<semaphore_mem>>) src(%dma_wait3A_97 : memref<10000x128xf32, #tpu.memory_space<hbm>>) dst(%arg8 : memref<80x128xf32, #tpu.memory_space<vmem>>)
      %lt3A_98 = arith.constant 31 : i32
      %lt3A_99 = arith.cmpi slt, %scan3A_56, %lt3A_98 : i32
      %convert_element_type3A_100 = arith.extui %lt3A_99 : i1 to i32
      %cond3A_101 = arith.constant 0 : i32
      %cond3A_102 = arith.cmpi ne, %convert_element_type3A_100, %cond3A_101 : i32
      scf.if %cond3A_102 {
        %add3A_111 = arith.constant 2 : i32
        %add3A_112 = arith.addi %mul3A_58, %add3A_111 : i32
        %dma_start3A_113 = arith.constant 0 : i32
        %dma_start3A_114 = tpu.memref_slice %arg6[%add3A_112, %dma_start3A_113] : memref<64x80xi32, #tpu.memory_space<vmem>> -> memref<1x80xi32, #tpu.memory_space<vmem>>
        %dma_start3A_115 = tpu.memref_squeeze %dma_start3A_114 : memref<1x80xi32, #tpu.memory_space<vmem>> -> memref<80xi32, #tpu.memory_space<vmem>>
        %dma_start3A_116 = arith.constant 0 : i32
        %dma_start3A_117 = arith.constant 0 : i32
        %dma_start3A_118 = tpu.memref_slice %arg2[%dma_start3A_116, %dma_start3A_117] : memref<10000x128xf32, #tpu.memory_space<hbm>> -> memref<10000x128xf32, #tpu.memory_space<hbm>>
        tpu.enqueue_indirect_dma source(%dma_start3A_118 : memref<10000x128xf32, #tpu.memory_space<hbm>>) target(%arg8 : memref<80x128xf32, #tpu.memory_space<vmem>>) offsets(%dma_start3A_115 : memref<80xi32, #tpu.memory_space<vmem>>) semaphore(%arg12 : memref<!tpu.dma_semaphore, #tpu.memory_space<semaphore_mem>>)
      } else {
      }
      %add3A_103 = arith.constant 1 : i32
      %add3A_104 = arith.addi %mul3A_58, %add3A_103 : i32
      %dma_start3A_105 = arith.constant 0 : i32
      %dma_start3A_106 = tpu.memref_slice %arg7[%add3A_104, %dma_start3A_105] : memref<64x80xi32, #tpu.memory_space<vmem>> -> memref<1x80xi32, #tpu.memory_space<vmem>>
      %dma_start3A_107 = tpu.memref_squeeze %dma_start3A_106 : memref<1x80xi32, #tpu.memory_space<vmem>> -> memref<80xi32, #tpu.memory_space<vmem>>
      %dma_start3A_108 = arith.constant 0 : i32
      %dma_start3A_109 = arith.constant 0 : i32
      %dma_start3A_110 = tpu.memref_slice %arg11[%dma_start3A_108, %dma_start3A_109] : memref<10240x128xf32, #tpu.memory_space<vmem_shared>> -> memref<10240x128xf32, #tpu.memory_space<vmem_shared>>
      tpu.enqueue_indirect_dma source(%arg9 : memref<80x128xf32, #tpu.memory_space<vmem>>) target(%dma_start3A_110 : memref<10240x128xf32, #tpu.memory_space<vmem_shared>>) offsets(%dma_start3A_107 : memref<80xi32, #tpu.memory_space<vmem>>) semaphore(%arg13 : memref<!tpu.dma_semaphore, #tpu.memory_space<semaphore_mem>>) {add = true}
    }
    %scan3A_21 = arith.constant 32 : i32
    %dma_wait3A = arith.constant 0 : i32
    %dma_wait3A_22 = arith.constant 0 : i32
    %dma_wait3A_23 = tpu.memref_slice %arg6[%dma_wait3A, %dma_wait3A_22] : memref<64x80xi32, #tpu.memory_space<vmem>> -> memref<1x80xi32, #tpu.memory_space<vmem>>
    %dma_wait3A_24 = tpu.memref_squeeze %dma_wait3A_23 : memref<1x80xi32, #tpu.memory_space<vmem>> -> memref<80xi32, #tpu.memory_space<vmem>>
    %dma_wait3A_25 = arith.constant 0 : i32
    %dma_wait3A_26 = arith.constant 0 : i32
    %dma_wait3A_27 = tpu.memref_slice %arg2[%dma_wait3A_25, %dma_wait3A_26] : memref<10000x128xf32, #tpu.memory_space<hbm>> -> memref<10000x128xf32, #tpu.memory_space<hbm>>
    tpu.wait_indirect_dma semaphore(%arg13 : memref<!tpu.dma_semaphore, #tpu.memory_space<semaphore_mem>>) src(%dma_wait3A_27 : memref<10000x128xf32, #tpu.memory_space<hbm>>) dst(%arg9 : memref<80x128xf32, #tpu.memory_space<vmem>>)
    %run_scoped3A_28 = arith.constant 1 : i32
    "tpu.region"() ({
      %run_scoped3A_56 = tpu.sem_alloc : memref<!tpu.dma_semaphore, #tpu.memory_space<semaphore_mem>>
      %dma_start3A_57 = arith.constant 0 : i32
      %dma_start3A_58 = arith.constant 0 : i32
      %dma_start3A_59 = tpu.memref_slice %arg3[%add3A, %run_scoped3A_28, %dma_start3A_57, %dma_start3A_58] : memref<32x2x64x80xi32, #tpu.memory_space<hbm>> -> memref<1x1x64x80xi32, #tpu.memory_space<hbm>>
      %dma_start3A_60 = tpu.memref_squeeze %dma_start3A_59 : memref<1x1x64x80xi32, #tpu.memory_space<hbm>> -> memref<64x80xi32, #tpu.memory_space<hbm>>
      %dma_start3A_61 = arith.constant 0 : i32
      %dma_start3A_62 = arith.constant 0 : i32
      %dma_start3A_63 = tpu.memref_slice %arg3[%add3A, %run_scoped3A_28, %dma_start3A_61, %dma_start3A_62] : memref<32x2x64x80xi32, #tpu.memory_space<hbm>> -> memref<1x1x64x80xi32, #tpu.memory_space<hbm>>
      %dma_start3A_64 = tpu.memref_squeeze %dma_start3A_63 : memref<1x1x64x80xi32, #tpu.memory_space<hbm>> -> memref<64x80xi32, #tpu.memory_space<hbm>>
      tpu.enqueue_dma source(%dma_start3A_64 : memref<64x80xi32, #tpu.memory_space<hbm>>) target(%arg6 : memref<64x80xi32, #tpu.memory_space<vmem>>) target_semaphore(%run_scoped3A_56 : memref<!tpu.dma_semaphore, #tpu.memory_space<semaphore_mem>>)
      %dma_wait3A_65 = arith.constant 0 : i32
      %dma_wait3A_66 = arith.constant 0 : i32
      %dma_wait3A_67 = tpu.memref_slice %arg3[%add3A, %run_scoped3A_28, %dma_wait3A_65, %dma_wait3A_66] : memref<32x2x64x80xi32, #tpu.memory_space<hbm>> -> memref<1x1x64x80xi32, #tpu.memory_space<hbm>>
      %dma_wait3A_68 = tpu.memref_squeeze %dma_wait3A_67 : memref<1x1x64x80xi32, #tpu.memory_space<hbm>> -> memref<64x80xi32, #tpu.memory_space<hbm>>
      %dma_wait3A_69 = arith.constant 0 : i32
      %dma_wait3A_70 = arith.constant 0 : i32
      %dma_wait3A_71 = tpu.memref_slice %arg3[%add3A, %run_scoped3A_28, %dma_wait3A_69, %dma_wait3A_70] : memref<32x2x64x80xi32, #tpu.memory_space<hbm>> -> memref<1x1x64x80xi32, #tpu.memory_space<hbm>>
      %dma_wait3A_72 = tpu.memref_squeeze %dma_wait3A_71 : memref<1x1x64x80xi32, #tpu.memory_space<hbm>> -> memref<64x80xi32, #tpu.memory_space<hbm>>
      tpu.wait_dma2 semaphore(%run_scoped3A_56 : memref<!tpu.dma_semaphore, #tpu.memory_space<semaphore_mem>>) src(%dma_wait3A_72 : memref<64x80xi32, #tpu.memory_space<hbm>>) dst(%arg6 : memref<64x80xi32, #tpu.memory_space<vmem>>)
      tpu.yield
    }) : () -> ()
    %run_scoped3A_29 = arith.constant 1 : i32
    "tpu.region"() ({
      %run_scoped3A_56 = tpu.sem_alloc : memref<!tpu.dma_semaphore, #tpu.memory_space<semaphore_mem>>
      %dma_start3A_57 = arith.constant 0 : i32
      %dma_start3A_58 = arith.constant 0 : i32
      %dma_start3A_59 = tpu.memref_slice %arg4[%add3A, %run_scoped3A_29, %dma_start3A_57, %dma_start3A_58] : memref<32x2x64x80xi32, #tpu.memory_space<hbm>> -> memref<1x1x64x80xi32, #tpu.memory_space<hbm>>
      %dma_start3A_60 = tpu.memref_squeeze %dma_start3A_59 : memref<1x1x64x80xi32, #tpu.memory_space<hbm>> -> memref<64x80xi32, #tpu.memory_space<hbm>>
      %dma_start3A_61 = arith.constant 0 : i32
      %dma_start3A_62 = arith.constant 0 : i32
      %dma_start3A_63 = tpu.memref_slice %arg4[%add3A, %run_scoped3A_29, %dma_start3A_61, %dma_start3A_62] : memref<32x2x64x80xi32, #tpu.memory_space<hbm>> -> memref<1x1x64x80xi32, #tpu.memory_space<hbm>>
      %dma_start3A_64 = tpu.memref_squeeze %dma_start3A_63 : memref<1x1x64x80xi32, #tpu.memory_space<hbm>> -> memref<64x80xi32, #tpu.memory_space<hbm>>
      tpu.enqueue_dma source(%dma_start3A_64 : memref<64x80xi32, #tpu.memory_space<hbm>>) target(%arg7 : memref<64x80xi32, #tpu.memory_space<vmem>>) target_semaphore(%run_scoped3A_56 : memref<!tpu.dma_semaphore, #tpu.memory_space<semaphore_mem>>)
      %dma_wait3A_65 = arith.constant 0 : i32
      %dma_wait3A_66 = arith.constant 0 : i32
      %dma_wait3A_67 = tpu.memref_slice %arg4[%add3A, %run_scoped3A_29, %dma_wait3A_65, %dma_wait3A_66] : memref<32x2x64x80xi32, #tpu.memory_space<hbm>> -> memref<1x1x64x80xi32, #tpu.memory_space<hbm>>
      %dma_wait3A_68 = tpu.memref_squeeze %dma_wait3A_67 : memref<1x1x64x80xi32, #tpu.memory_space<hbm>> -> memref<64x80xi32, #tpu.memory_space<hbm>>
      %dma_wait3A_69 = arith.constant 0 : i32
      %dma_wait3A_70 = arith.constant 0 : i32
      %dma_wait3A_71 = tpu.memref_slice %arg4[%add3A, %run_scoped3A_29, %dma_wait3A_69, %dma_wait3A_70] : memref<32x2x64x80xi32, #tpu.memory_space<hbm>> -> memref<1x1x64x80xi32, #tpu.memory_space<hbm>>
      %dma_wait3A_72 = tpu.memref_squeeze %dma_wait3A_71 : memref<1x1x64x80xi32, #tpu.memory_space<hbm>> -> memref<64x80xi32, #tpu.memory_space<hbm>>
      tpu.wait_dma2 semaphore(%run_scoped3A_56 : memref<!tpu.dma_semaphore, #tpu.memory_space<semaphore_mem>>) src(%dma_wait3A_72 : memref<64x80xi32, #tpu.memory_space<hbm>>) dst(%arg7 : memref<64x80xi32, #tpu.memory_space<vmem>>)
      tpu.yield
    }) : () -> ()
    %dma_start3A_30 = arith.constant 0 : i32
    %dma_start3A_31 = arith.constant 0 : i32
    %dma_start3A_32 = tpu.memref_slice %arg6[%dma_start3A_30, %dma_start3A_31] : memref<64x80xi32, #tpu.memory_space<vmem>> -> memref<1x80xi32, #tpu.memory_space<vmem>>
    %dma_start3A_33 = tpu.memref_squeeze %dma_start3A_32 : memref<1x80xi32, #tpu.memory_space<vmem>> -> memref<80xi32, #tpu.memory_space<vmem>>
    %dma_start3A_34 = arith.constant 0 : i32
    %dma_start3A_35 = arith.constant 0 : i32
    %dma_start3A_36 = tpu.memref_slice %arg2[%dma_start3A_34, %dma_start3A_35] : memref<10000x128xf32, #tpu.memory_space<hbm>> -> memref<10000x128xf32, #tpu.memory_space<hbm>>
    tpu.enqueue_indirect_dma source(%dma_start3A_36 : memref<10000x128xf32, #tpu.memory_space<hbm>>) target(%arg8 : memref<80x128xf32, #tpu.memory_space<vmem>>) offsets(%dma_start3A_33 : memref<80xi32, #tpu.memory_space<vmem>>) semaphore(%arg12 : memref<!tpu.dma_semaphore, #tpu.memory_space<semaphore_mem>>)
    %scan3A_37 = arith.constant 0 : i32
    %scan3A_38 = arith.constant 0 : i32
    %scan3A_39 = arith.constant 32 : i32
    %scan3A_40 = arith.addi %scan3A_38, %scan3A_39 : i32
    %scan3A_41 = arith.constant 1 : i32
    scf.for %scan3A_56 = %scan3A_38 to %scan3A_40 step %scan3A_41  : i32 {
      %mul3A_57 = arith.constant 2 : i32
      %mul3A_58 = arith.muli %mul3A_57, %scan3A_56 : i32
      %dma_wait3A_59 = arith.constant 0 : i32
      %dma_wait3A_60 = tpu.memref_slice %arg6[%mul3A_58, %dma_wait3A_59] : memref<64x80xi32, #tpu.memory_space<vmem>> -> memref<1x80xi32, #tpu.memory_space<vmem>>
      %dma_wait3A_61 = tpu.memref_squeeze %dma_wait3A_60 : memref<1x80xi32, #tpu.memory_space<vmem>> -> memref<80xi32, #tpu.memory_space<vmem>>
      %dma_wait3A_62 = arith.constant 0 : i32
      %dma_wait3A_63 = arith.constant 0 : i32
      %dma_wait3A_64 = tpu.memref_slice %arg2[%dma_wait3A_62, %dma_wait3A_63] : memref<10000x128xf32, #tpu.memory_space<hbm>> -> memref<10000x128xf32, #tpu.memory_space<hbm>>
      tpu.wait_indirect_dma semaphore(%arg12 : memref<!tpu.dma_semaphore, #tpu.memory_space<semaphore_mem>>) src(%dma_wait3A_64 : memref<10000x128xf32, #tpu.memory_space<hbm>>) dst(%arg8 : memref<80x128xf32, #tpu.memory_space<vmem>>)
      %gt3A = arith.constant 0 : i32
      %gt3A_65 = arith.cmpi sgt, %scan3A_56, %gt3A : i32
      %convert_element_type3A_66 = arith.extui %gt3A_65 : i1 to i32
      %cond3A_67 = arith.constant 0 : i32
      %cond3A_68 = arith.cmpi ne, %convert_element_type3A_66, %cond3A_67 : i32
      scf.if %cond3A_68 {
        %dma_wait3A_111 = arith.constant 0 : i32
        %dma_wait3A_112 = arith.constant 0 : i32
        %dma_wait3A_113 = tpu.memref_slice %arg6[%dma_wait3A_111, %dma_wait3A_112] : memref<64x80xi32, #tpu.memory_space<vmem>> -> memref<1x80xi32, #tpu.memory_space<vmem>>
        %dma_wait3A_114 = tpu.memref_squeeze %dma_wait3A_113 : memref<1x80xi32, #tpu.memory_space<vmem>> -> memref<80xi32, #tpu.memory_space<vmem>>
        %dma_wait3A_115 = arith.constant 0 : i32
        %dma_wait3A_116 = arith.constant 0 : i32
        %dma_wait3A_117 = tpu.memref_slice %arg2[%dma_wait3A_115, %dma_wait3A_116] : memref<10000x128xf32, #tpu.memory_space<hbm>> -> memref<10000x128xf32, #tpu.memory_space<hbm>>
        tpu.wait_indirect_dma semaphore(%arg13 : memref<!tpu.dma_semaphore, #tpu.memory_space<semaphore_mem>>) src(%dma_wait3A_117 : memref<10000x128xf32, #tpu.memory_space<hbm>>) dst(%arg9 : memref<80x128xf32, #tpu.memory_space<vmem>>)
      } else {
      }
      %add3A_69 = arith.constant 1 : i32
      %add3A_70 = arith.addi %mul3A_58, %add3A_69 : i32
      %dma_start3A_71 = arith.constant 0 : i32
      %dma_start3A_72 = tpu.memref_slice %arg6[%add3A_70, %dma_start3A_71] : memref<64x80xi32, #tpu.memory_space<vmem>> -> memref<1x80xi32, #tpu.memory_space<vmem>>
      %dma_start3A_73 = tpu.memref_squeeze %dma_start3A_72 : memref<1x80xi32, #tpu.memory_space<vmem>> -> memref<80xi32, #tpu.memory_space<vmem>>
      %dma_start3A_74 = arith.constant 0 : i32
      %dma_start3A_75 = arith.constant 0 : i32
      %dma_start3A_76 = tpu.memref_slice %arg2[%dma_start3A_74, %dma_start3A_75] : memref<10000x128xf32, #tpu.memory_space<hbm>> -> memref<10000x128xf32, #tpu.memory_space<hbm>>
      tpu.enqueue_indirect_dma source(%dma_start3A_76 : memref<10000x128xf32, #tpu.memory_space<hbm>>) target(%arg9 : memref<80x128xf32, #tpu.memory_space<vmem>>) offsets(%dma_start3A_73 : memref<80xi32, #tpu.memory_space<vmem>>) semaphore(%arg12 : memref<!tpu.dma_semaphore, #tpu.memory_space<semaphore_mem>>)
      %dma_start3A_77 = arith.constant 0 : i32
      %dma_start3A_78 = tpu.memref_slice %arg7[%mul3A_58, %dma_start3A_77] : memref<64x80xi32, #tpu.memory_space<vmem>> -> memref<1x80xi32, #tpu.memory_space<vmem>>
      %dma_start3A_79 = tpu.memref_squeeze %dma_start3A_78 : memref<1x80xi32, #tpu.memory_space<vmem>> -> memref<80xi32, #tpu.memory_space<vmem>>
      %dma_start3A_80 = arith.constant 0 : i32
      %dma_start3A_81 = arith.constant 0 : i32
      %dma_start3A_82 = tpu.memref_slice %arg11[%dma_start3A_80, %dma_start3A_81] : memref<10240x128xf32, #tpu.memory_space<vmem_shared>> -> memref<10240x128xf32, #tpu.memory_space<vmem_shared>>
      tpu.enqueue_indirect_dma source(%arg8 : memref<80x128xf32, #tpu.memory_space<vmem>>) target(%dma_start3A_82 : memref<10240x128xf32, #tpu.memory_space<vmem_shared>>) offsets(%dma_start3A_79 : memref<80xi32, #tpu.memory_space<vmem>>) semaphore(%arg13 : memref<!tpu.dma_semaphore, #tpu.memory_space<semaphore_mem>>) {add = true}
      %add3A_83 = arith.constant 1 : i32
      %add3A_84 = arith.addi %mul3A_58, %add3A_83 : i32
      %dma_wait3A_85 = arith.constant 0 : i32
      %dma_wait3A_86 = tpu.memref_slice %arg6[%add3A_84, %dma_wait3A_85] : memref<64x80xi32, #tpu.memory_space<vmem>> -> memref<1x80xi32, #tpu.memory_space<vmem>>
      %dma_wait3A_87 = tpu.memref_squeeze %dma_wait3A_86 : memref<1x80xi32, #tpu.memory_space<vmem>> -> memref<80xi32, #tpu.memory_space<vmem>>
      %dma_wait3A_88 = arith.constant 0 : i32
      %dma_wait3A_89 = arith.constant 0 : i32
      %dma_wait3A_90 = tpu.memref_slice %arg2[%dma_wait3A_88, %dma_wait3A_89] : memref<10000x128xf32, #tpu.memory_space<hbm>> -> memref<10000x128xf32, #tpu.memory_space<hbm>>
      tpu.wait_indirect_dma semaphore(%arg12 : memref<!tpu.dma_semaphore, #tpu.memory_space<semaphore_mem>>) src(%dma_wait3A_90 : memref<10000x128xf32, #tpu.memory_space<hbm>>) dst(%arg9 : memref<80x128xf32, #tpu.memory_space<vmem>>)
      %dma_wait3A_91 = arith.constant 0 : i32
      %dma_wait3A_92 = arith.constant 0 : i32
      %dma_wait3A_93 = tpu.memref_slice %arg6[%dma_wait3A_91, %dma_wait3A_92] : memref<64x80xi32, #tpu.memory_space<vmem>> -> memref<1x80xi32, #tpu.memory_space<vmem>>
      %dma_wait3A_94 = tpu.memref_squeeze %dma_wait3A_93 : memref<1x80xi32, #tpu.memory_space<vmem>> -> memref<80xi32, #tpu.memory_space<vmem>>
      %dma_wait3A_95 = arith.constant 0 : i32
      %dma_wait3A_96 = arith.constant 0 : i32
      %dma_wait3A_97 = tpu.memref_slice %arg2[%dma_wait3A_95, %dma_wait3A_96] : memref<10000x128xf32, #tpu.memory_space<hbm>> -> memref<10000x128xf32, #tpu.memory_space<hbm>>
      tpu.wait_indirect_dma semaphore(%arg13 : memref<!tpu.dma_semaphore, #tpu.memory_space<semaphore_mem>>) src(%dma_wait3A_97 : memref<10000x128xf32, #tpu.memory_space<hbm>>) dst(%arg8 : memref<80x128xf32, #tpu.memory_space<vmem>>)
      %lt3A_98 = arith.constant 31 : i32
      %lt3A_99 = arith.cmpi slt, %scan3A_56, %lt3A_98 : i32
      %convert_element_type3A_100 = arith.extui %lt3A_99 : i1 to i32
      %cond3A_101 = arith.constant 0 : i32
      %cond3A_102 = arith.cmpi ne, %convert_element_type3A_100, %cond3A_101 : i32
      scf.if %cond3A_102 {
        %add3A_111 = arith.constant 2 : i32
        %add3A_112 = arith.addi %mul3A_58, %add3A_111 : i32
        %dma_start3A_113 = arith.constant 0 : i32
        %dma_start3A_114 = tpu.memref_slice %arg6[%add3A_112, %dma_start3A_113] : memref<64x80xi32, #tpu.memory_space<vmem>> -> memref<1x80xi32, #tpu.memory_space<vmem>>
        %dma_start3A_115 = tpu.memref_squeeze %dma_start3A_114 : memref<1x80xi32, #tpu.memory_space<vmem>> -> memref<80xi32, #tpu.memory_space<vmem>>
        %dma_start3A_116 = arith.constant 0 : i32
        %dma_start3A_117 = arith.constant 0 : i32
        %dma_start3A_118 = tpu.memref_slice %arg2[%dma_start3A_116, %dma_start3A_117] : memref<10000x128xf32, #tpu.memory_space<hbm>> -> memref<10000x128xf32, #tpu.memory_space<hbm>>
        tpu.enqueue_indirect_dma source(%dma_start3A_118 : memref<10000x128xf32, #tpu.memory_space<hbm>>) target(%arg8 : memref<80x128xf32, #tpu.memory_space<vmem>>) offsets(%dma_start3A_115 : memref<80xi32, #tpu.memory_space<vmem>>) semaphore(%arg12 : memref<!tpu.dma_semaphore, #tpu.memory_space<semaphore_mem>>)
      } else {
      }
      %add3A_103 = arith.constant 1 : i32
      %add3A_104 = arith.addi %mul3A_58, %add3A_103 : i32
      %dma_start3A_105 = arith.constant 0 : i32
      %dma_start3A_106 = tpu.memref_slice %arg7[%add3A_104, %dma_start3A_105] : memref<64x80xi32, #tpu.memory_space<vmem>> -> memref<1x80xi32, #tpu.memory_space<vmem>>
      %dma_start3A_107 = tpu.memref_squeeze %dma_start3A_106 : memref<1x80xi32, #tpu.memory_space<vmem>> -> memref<80xi32, #tpu.memory_space<vmem>>
      %dma_start3A_108 = arith.constant 0 : i32
      %dma_start3A_109 = arith.constant 0 : i32
      %dma_start3A_110 = tpu.memref_slice %arg11[%dma_start3A_108, %dma_start3A_109] : memref<10240x128xf32, #tpu.memory_space<vmem_shared>> -> memref<10240x128xf32, #tpu.memory_space<vmem_shared>>
      tpu.enqueue_indirect_dma source(%arg9 : memref<80x128xf32, #tpu.memory_space<vmem>>) target(%dma_start3A_110 : memref<10240x128xf32, #tpu.memory_space<vmem_shared>>) offsets(%dma_start3A_107 : memref<80xi32, #tpu.memory_space<vmem>>) semaphore(%arg13 : memref<!tpu.dma_semaphore, #tpu.memory_space<semaphore_mem>>) {add = true}
    }
    %scan3A_42 = arith.constant 32 : i32
    %dma_wait3A_43 = arith.constant 0 : i32
    %dma_wait3A_44 = arith.constant 0 : i32
    %dma_wait3A_45 = tpu.memref_slice %arg6[%dma_wait3A_43, %dma_wait3A_44] : memref<64x80xi32, #tpu.memory_space<vmem>> -> memref<1x80xi32, #tpu.memory_space<vmem>>
    %dma_wait3A_46 = tpu.memref_squeeze %dma_wait3A_45 : memref<1x80xi32, #tpu.memory_space<vmem>> -> memref<80xi32, #tpu.memory_space<vmem>>
    %dma_wait3A_47 = arith.constant 0 : i32
    %dma_wait3A_48 = arith.constant 0 : i32
    %dma_wait3A_49 = tpu.memref_slice %arg2[%dma_wait3A_47, %dma_wait3A_48] : memref<10000x128xf32, #tpu.memory_space<hbm>> -> memref<10000x128xf32, #tpu.memory_space<hbm>>
    tpu.wait_indirect_dma semaphore(%arg13 : memref<!tpu.dma_semaphore, #tpu.memory_space<semaphore_mem>>) src(%dma_wait3A_49 : memref<10000x128xf32, #tpu.memory_space<hbm>>) dst(%arg9 : memref<80x128xf32, #tpu.memory_space<vmem>>)
    %barrier3A_50 = arith.constant 0 : index
    tpu.barrier barrier_id(%barrier3A_50)
    %lt3A_51 = arith.constant 10 : i32
    %lt3A_52 = arith.cmpi slt, %arg1, %lt3A_51 : i32
    %convert_element_type3A_53 = arith.extui %lt3A_52 : i1 to i32
    %cond3A_54 = arith.constant 0 : i32
    %cond3A_55 = arith.cmpi ne, %convert_element_type3A_53, %cond3A_54 : i32
    scf.if %cond3A_55 {
      %mul3A_56 = arith.constant 1000 : i32
      %mul3A_57 = arith.muli %arg1, %mul3A_56 : i32
      %mul3A_58 = arith.constant 1000 : i32
      %mul3A_59 = arith.muli %arg1, %mul3A_58 : i32
      "tpu.region"() ({
        %run_scoped3A_60 = tpu.sem_alloc : memref<!tpu.dma_semaphore, #tpu.memory_space<semaphore_mem>>
        %dma_start3A_61 = arith.constant 0 : i32
        %dma_start3A_62 = tpu.memref_slice %arg5[%arg0, %mul3A_59, %dma_start3A_61] : memref<2x10000x128xf32, #tpu.memory_space<hbm>> -> memref<1x1000x128xf32, #tpu.memory_space<hbm>>
        %dma_start3A_63 = tpu.memref_squeeze %dma_start3A_62 : memref<1x1000x128xf32, #tpu.memory_space<hbm>> -> memref<1000x128xf32, #tpu.memory_space<hbm>>
        %dma_start3A_64 = arith.constant 0 : i32
        %dma_start3A_65 = tpu.memref_slice %arg11[%mul3A_57, %dma_start3A_64] : memref<10240x128xf32, #tpu.memory_space<vmem_shared>> -> memref<1000x128xf32, #tpu.memory_space<vmem_shared>>
        tpu.enqueue_dma source(%dma_start3A_65 : memref<1000x128xf32, #tpu.memory_space<vmem_shared>>) target(%dma_start3A_63 : memref<1000x128xf32, #tpu.memory_space<hbm>>) target_semaphore(%run_scoped3A_60 : memref<!tpu.dma_semaphore, #tpu.memory_space<semaphore_mem>>)
        %dma_wait3A_66 = arith.constant 0 : i32
        %dma_wait3A_67 = tpu.memref_slice %arg5[%arg0, %mul3A_59, %dma_wait3A_66] : memref<2x10000x128xf32, #tpu.memory_space<hbm>> -> memref<1x1000x128xf32, #tpu.memory_space<hbm>>
        %dma_wait3A_68 = tpu.memref_squeeze %dma_wait3A_67 : memref<1x1000x128xf32, #tpu.memory_space<hbm>> -> memref<1000x128xf32, #tpu.memory_space<hbm>>
        %dma_wait3A_69 = arith.constant 0 : i32
        %dma_wait3A_70 = tpu.memref_slice %arg11[%mul3A_57, %dma_wait3A_69] : memref<10240x128xf32, #tpu.memory_space<vmem_shared>> -> memref<1000x128xf32, #tpu.memory_space<vmem_shared>>
        tpu.wait_dma2 semaphore(%run_scoped3A_60 : memref<!tpu.dma_semaphore, #tpu.memory_space<semaphore_mem>>) src(%dma_wait3A_70 : memref<1000x128xf32, #tpu.memory_space<vmem_shared>>) dst(%dma_wait3A_68 : memref<1000x128xf32, #tpu.memory_space<hbm>>)
        tpu.yield
      }) : () -> ()
    } else {
    }
    return
  }
}

module attributes {stable_mosaic.version = 14 : i64} {
  func.func @_tc1_body(%arg0: i32, %arg1: memref<2x1000x128xf32, #tpu.memory_space<vmem>>, %arg2: memref<1000x2xf32, #tpu.memory_space<vmem>>, %arg3: memref<1000x128xf32, #tpu.memory_space<vmem>>, %arg4: memref<128x128xf32, #tpu.memory_space<vmem>>, %arg5: memref<128x128xf32, #tpu.memory_space<vmem>>, %arg6: memref<1x128xf32, #tpu.memory_space<vmem>>, %arg7: memref<1000x128xf32, #tpu.memory_space<vmem>>) attributes {dimension_semantics = [#tpu.dimension_semantics<arbitrary>], iteration_bounds = array<i64: 10>, scalar_prefetch = 0 : i64, scratch_operands = 0 : i64, tpu.core_type = #tpu.core_type<tc>, window_params = [{transform_indices = @transform_0, window_bounds = array<i64: 2, 1000, 128>}, {transform_indices = @transform_1, window_bounds = array<i64: 1000, 2>}, {transform_indices = @transform_2, window_bounds = array<i64: 1000, 128>}, {pipeline_mode = #tpu.pipeline_mode<synchronous>, transform_indices = @transform_3, window_bounds = array<i64: 128, 128>}, {pipeline_mode = #tpu.pipeline_mode<synchronous>, transform_indices = @transform_4, window_bounds = array<i64: 128, 128>}, {pipeline_mode = #tpu.pipeline_mode<synchronous>, transform_indices = @transform_5, window_bounds = array<i64: 1, 128>}, {transform_indices = @transform_6, window_bounds = array<i64: 1000, 128>}]} {
    %get3A = arith.constant 0 : index
    %get3A_0 = arith.constant 0 : index
    %get3A_1 = arith.constant 0 : index
    %get3A_2 = vector.load %arg1[%get3A, %get3A_0, %get3A_1] : memref<2x1000x128xf32, #tpu.memory_space<vmem>>, vector<1x1000x128xf32>
    %get3A_3 = vector.shape_cast %get3A_2 : vector<1x1000x128xf32> to vector<1000x128xf32>
    %get3A_4 = arith.constant 1 : index
    %get3A_5 = arith.constant 0 : index
    %get3A_6 = arith.constant 0 : index
    %get3A_7 = vector.load %arg1[%get3A_4, %get3A_5, %get3A_6] : memref<2x1000x128xf32, #tpu.memory_space<vmem>>, vector<1x1000x128xf32>
    %get3A_8 = vector.shape_cast %get3A_7 : vector<1x1000x128xf32> to vector<1000x128xf32>
    %add3A = arith.addf %get3A_3, %get3A_8 : vector<1000x128xf32>
    %get3A_9 = arith.constant 0 : index
    %get3A_10 = arith.constant 0 : index
    %get3A_11 = vector.load %arg2[%get3A_9, %get3A_10] : memref<1000x2xf32, #tpu.memory_space<vmem>>, vector<1000x1xf32>
    %get3A_12 = arith.constant 0 : index
    %get3A_13 = arith.constant 1 : index
    %get3A_14 = vector.load %arg2[%get3A_12, %get3A_13] : memref<1000x2xf32, #tpu.memory_space<vmem>>, vector<1000x1xf32>
    %add3A_15 = arith.addf %get3A_11, %get3A_14 : vector<1000x1xf32>
    %max3A = arith.constant 1.000000e+00 : f32
    %max3A_16 = vector.broadcast %max3A : f32 to vector<1000x1xf32>
    %max3A_17 = arith.maximumf %add3A_15, %max3A_16 : vector<1000x1xf32>
    %div3A = vector.broadcast %max3A_17 : vector<1000x1xf32> to vector<1000x128xf32>
    %div3A_18 = arith.divf %add3A, %div3A : vector<1000x128xf32>
    %get3A_19 = arith.constant 0 : index
    %get3A_20 = arith.constant 0 : index
    %get3A_21 = vector.load %arg4[%get3A_19, %get3A_20] : memref<128x128xf32, #tpu.memory_space<vmem>>, vector<128x128xf32>
    %dot_general3A = arith.constant dense<0.000000e+00> : vector<1000x128xf32>
    %dot_general3A_22 = tpu.matmul %div3A_18, %get3A_21, %dot_general3A {dimension_numbers = #tpu.dot_dimension_numbers<[1], [0], [0], [1], [0, 0, 1, 1], [], []>, transpose_lhs_hint = false} : vector<1000x128xf32>, vector<128x128xf32>, vector<1000x128xf32> -> vector<1000x128xf32>
    %get3A_23 = arith.constant 0 : index
    %get3A_24 = arith.constant 0 : index
    %get3A_25 = vector.load %arg6[%get3A_23, %get3A_24] : memref<1x128xf32, #tpu.memory_space<vmem>>, vector<1x128xf32>
    %add3A_26 = vector.broadcast %get3A_25 : vector<1x128xf32> to vector<1000x128xf32>
    %add3A_27 = arith.addf %dot_general3A_22, %add3A_26 : vector<1000x128xf32>
    %get3A_28 = arith.constant 0 : index
    %get3A_29 = arith.constant 0 : index
    %get3A_30 = vector.load %arg3[%get3A_28, %get3A_29] : memref<1000x128xf32, #tpu.memory_space<vmem>>, vector<1000x128xf32>
    %get3A_31 = arith.constant 0 : index
    %get3A_32 = arith.constant 0 : index
    %get3A_33 = vector.load %arg5[%get3A_31, %get3A_32] : memref<128x128xf32, #tpu.memory_space<vmem>>, vector<128x128xf32>
    %dot_general3A_34 = arith.constant dense<0.000000e+00> : vector<1000x128xf32>
    %dot_general3A_35 = tpu.matmul %get3A_30, %get3A_33, %dot_general3A_34 {dimension_numbers = #tpu.dot_dimension_numbers<[1], [0], [0], [1], [0, 0, 1, 1], [], []>, transpose_lhs_hint = false} : vector<1000x128xf32>, vector<128x128xf32>, vector<1000x128xf32> -> vector<1000x128xf32>
    %add3A_36 = arith.addf %add3A_27, %dot_general3A_35 : vector<1000x128xf32>
    %max3A_37 = arith.constant 0.000000e+00 : f32
    %max3A_38 = vector.broadcast %max3A_37 : f32 to vector<1000x128xf32>
    %max3A_39 = arith.maximumf %add3A_36, %max3A_38 : vector<1000x128xf32>
    %swap3A = arith.constant 0 : index
    %swap3A_40 = arith.constant 0 : index
    %swap3A_41 = vector.load %arg7[%swap3A, %swap3A_40] : memref<1000x128xf32, #tpu.memory_space<vmem>>, vector<1000x128xf32>
    tpu.vector_store %arg7[%swap3A, %swap3A_40], %max3A_39 {strides = array<i32>} : memref<1000x128xf32, #tpu.memory_space<vmem>>, vector<1000x128xf32>,
    return
  }
  func.func @transform_0(%arg0: i32) -> (i32, i32, i32) {
    %c0_i32 = arith.constant 0 : i32
    %c0_i32_0 = arith.constant 0 : i32
    %c0_i32_1 = arith.constant 0 : i32
    return %c0_i32, %arg0, %c0_i32_0 : i32, i32, i32
  }
  func.func @transform_1(%arg0: i32) -> (i32, i32) {
    %c0_i32 = arith.constant 0 : i32
    %c0_i32_0 = arith.constant 0 : i32
    return %arg0, %c0_i32 : i32, i32
  }
  func.func @transform_2(%arg0: i32) -> (i32, i32) {
    %c0_i32 = arith.constant 0 : i32
    %c0_i32_0 = arith.constant 0 : i32
    return %arg0, %c0_i32 : i32, i32
  }
  func.func @transform_3(%arg0: i32) -> (i32, i32) {
    %c0_i32 = arith.constant 0 : i32
    %c0_i32_0 = arith.constant 0 : i32
    %c0_i32_1 = arith.constant 0 : i32
    return %c0_i32, %c0_i32_0 : i32, i32
  }
  func.func @transform_4(%arg0: i32) -> (i32, i32) {
    %c0_i32 = arith.constant 0 : i32
    %c0_i32_0 = arith.constant 0 : i32
    %c0_i32_1 = arith.constant 0 : i32
    return %c0_i32, %c0_i32_0 : i32, i32
  }
  func.func @transform_5(%arg0: i32) -> (i32, i32) {
    %c0_i32 = arith.constant 0 : i32
    %c0_i32_0 = arith.constant 0 : i32
    %c0_i32_1 = arith.constant 0 : i32
    return %c0_i32, %c0_i32_0 : i32, i32
  }
  func.func @transform_6(%arg0: i32) -> (i32, i32) {
    %c0_i32 = arith.constant 0 : i32
    %c0_i32_0 = arith.constant 0 : i32
    return %arg0, %c0_i32 : i32, i32
  }
}

module attributes {stable_mosaic.version = 14 : i64} {
  func.func @_tc2_body(%arg0: i32, %arg1: memref<2x1000x128xf32, #tpu.memory_space<vmem>>, %arg2: memref<1000x2xf32, #tpu.memory_space<vmem>>, %arg3: memref<1000x128xf32, #tpu.memory_space<vmem>>, %arg4: memref<128x128xf32, #tpu.memory_space<vmem>>, %arg5: memref<128x128xf32, #tpu.memory_space<vmem>>, %arg6: memref<1x128xf32, #tpu.memory_space<vmem>>, %arg7: memref<1000x128xf32, #tpu.memory_space<vmem>>) attributes {dimension_semantics = [#tpu.dimension_semantics<arbitrary>], iteration_bounds = array<i64: 10>, scalar_prefetch = 0 : i64, scratch_operands = 0 : i64, tpu.core_type = #tpu.core_type<tc>, window_params = [{transform_indices = @transform_0, window_bounds = array<i64: 2, 1000, 128>}, {transform_indices = @transform_1, window_bounds = array<i64: 1000, 2>}, {transform_indices = @transform_2, window_bounds = array<i64: 1000, 128>}, {pipeline_mode = #tpu.pipeline_mode<synchronous>, transform_indices = @transform_3, window_bounds = array<i64: 128, 128>}, {pipeline_mode = #tpu.pipeline_mode<synchronous>, transform_indices = @transform_4, window_bounds = array<i64: 128, 128>}, {pipeline_mode = #tpu.pipeline_mode<synchronous>, transform_indices = @transform_5, window_bounds = array<i64: 1, 128>}, {transform_indices = @transform_6, window_bounds = array<i64: 1000, 128>}]} {
    %get3A = arith.constant 0 : index
    %get3A_0 = arith.constant 0 : index
    %get3A_1 = arith.constant 0 : index
    %get3A_2 = vector.load %arg1[%get3A, %get3A_0, %get3A_1] : memref<2x1000x128xf32, #tpu.memory_space<vmem>>, vector<1x1000x128xf32>
    %get3A_3 = vector.shape_cast %get3A_2 : vector<1x1000x128xf32> to vector<1000x128xf32>
    %get3A_4 = arith.constant 1 : index
    %get3A_5 = arith.constant 0 : index
    %get3A_6 = arith.constant 0 : index
    %get3A_7 = vector.load %arg1[%get3A_4, %get3A_5, %get3A_6] : memref<2x1000x128xf32, #tpu.memory_space<vmem>>, vector<1x1000x128xf32>
    %get3A_8 = vector.shape_cast %get3A_7 : vector<1x1000x128xf32> to vector<1000x128xf32>
    %add3A = arith.addf %get3A_3, %get3A_8 : vector<1000x128xf32>
    %get3A_9 = arith.constant 0 : index
    %get3A_10 = arith.constant 0 : index
    %get3A_11 = vector.load %arg2[%get3A_9, %get3A_10] : memref<1000x2xf32, #tpu.memory_space<vmem>>, vector<1000x1xf32>
    %get3A_12 = arith.constant 0 : index
    %get3A_13 = arith.constant 1 : index
    %get3A_14 = vector.load %arg2[%get3A_12, %get3A_13] : memref<1000x2xf32, #tpu.memory_space<vmem>>, vector<1000x1xf32>
    %add3A_15 = arith.addf %get3A_11, %get3A_14 : vector<1000x1xf32>
    %max3A = arith.constant 1.000000e+00 : f32
    %max3A_16 = vector.broadcast %max3A : f32 to vector<1000x1xf32>
    %max3A_17 = arith.maximumf %add3A_15, %max3A_16 : vector<1000x1xf32>
    %div3A = vector.broadcast %max3A_17 : vector<1000x1xf32> to vector<1000x128xf32>
    %div3A_18 = arith.divf %add3A, %div3A : vector<1000x128xf32>
    %get3A_19 = arith.constant 0 : index
    %get3A_20 = arith.constant 0 : index
    %get3A_21 = vector.load %arg4[%get3A_19, %get3A_20] : memref<128x128xf32, #tpu.memory_space<vmem>>, vector<128x128xf32>
    %dot_general3A = arith.constant dense<0.000000e+00> : vector<1000x128xf32>
    %dot_general3A_22 = tpu.matmul %div3A_18, %get3A_21, %dot_general3A {dimension_numbers = #tpu.dot_dimension_numbers<[1], [0], [0], [1], [0, 0, 1, 1], [], []>, transpose_lhs_hint = false} : vector<1000x128xf32>, vector<128x128xf32>, vector<1000x128xf32> -> vector<1000x128xf32>
    %get3A_23 = arith.constant 0 : index
    %get3A_24 = arith.constant 0 : index
    %get3A_25 = vector.load %arg6[%get3A_23, %get3A_24] : memref<1x128xf32, #tpu.memory_space<vmem>>, vector<1x128xf32>
    %add3A_26 = vector.broadcast %get3A_25 : vector<1x128xf32> to vector<1000x128xf32>
    %add3A_27 = arith.addf %dot_general3A_22, %add3A_26 : vector<1000x128xf32>
    %get3A_28 = arith.constant 0 : index
    %get3A_29 = arith.constant 0 : index
    %get3A_30 = vector.load %arg3[%get3A_28, %get3A_29] : memref<1000x128xf32, #tpu.memory_space<vmem>>, vector<1000x128xf32>
    %get3A_31 = arith.constant 0 : index
    %get3A_32 = arith.constant 0 : index
    %get3A_33 = vector.load %arg5[%get3A_31, %get3A_32] : memref<128x128xf32, #tpu.memory_space<vmem>>, vector<128x128xf32>
    %dot_general3A_34 = arith.constant dense<0.000000e+00> : vector<1000x128xf32>
    %dot_general3A_35 = tpu.matmul %get3A_30, %get3A_33, %dot_general3A_34 {dimension_numbers = #tpu.dot_dimension_numbers<[1], [0], [0], [1], [0, 0, 1, 1], [], []>, transpose_lhs_hint = false} : vector<1000x128xf32>, vector<128x128xf32>, vector<1000x128xf32> -> vector<1000x128xf32>
    %add3A_36 = arith.addf %add3A_27, %dot_general3A_35 : vector<1000x128xf32>
    %mul3A = arith.mulf %add3A_36, %add3A_36 : vector<1000x128xf32>
    %reduce_sum3A = arith.constant dense<0.000000e+00> : vector<1000xf32>
    %reduce_sum3A_37 = vector.multi_reduction <add>, %mul3A, %reduce_sum3A [1] : vector<1000x128xf32> to vector<1000xf32>
    %broadcast_in_dim3A = vector.shape_cast %reduce_sum3A_37 : vector<1000xf32> to vector<1000x1xf32>
    %sqrt3A = math.sqrt %broadcast_in_dim3A : vector<1000x1xf32>
    %max3A_38 = arith.constant 9.99999996E-13 : f32
    %max3A_39 = vector.broadcast %max3A_38 : f32 to vector<1000x1xf32>
    %max3A_40 = arith.maximumf %sqrt3A, %max3A_39 : vector<1000x1xf32>
    %div3A_41 = vector.broadcast %max3A_40 : vector<1000x1xf32> to vector<1000x128xf32>
    %div3A_42 = arith.divf %add3A_36, %div3A_41 : vector<1000x128xf32>
    %swap3A = arith.constant 0 : index
    %swap3A_43 = arith.constant 0 : index
    %swap3A_44 = vector.load %arg7[%swap3A, %swap3A_43] : memref<1000x128xf32, #tpu.memory_space<vmem>>, vector<1000x128xf32>
    tpu.vector_store %arg7[%swap3A, %swap3A_43], %div3A_42 {strides = array<i32>} : memref<1000x128xf32, #tpu.memory_space<vmem>>, vector<1000x128xf32>,
    return
  }
  func.func @transform_0(%arg0: i32) -> (i32, i32, i32) {
    %c0_i32 = arith.constant 0 : i32
    %c0_i32_0 = arith.constant 0 : i32
    %c0_i32_1 = arith.constant 0 : i32
    return %c0_i32, %arg0, %c0_i32_0 : i32, i32, i32
  }
  func.func @transform_1(%arg0: i32) -> (i32, i32) {
    %c0_i32 = arith.constant 0 : i32
    %c0_i32_0 = arith.constant 0 : i32
    return %arg0, %c0_i32 : i32, i32
  }
  func.func @transform_2(%arg0: i32) -> (i32, i32) {
    %c0_i32 = arith.constant 0 : i32
    %c0_i32_0 = arith.constant 0 : i32
    return %arg0, %c0_i32 : i32, i32
  }
  func.func @transform_3(%arg0: i32) -> (i32, i32) {
    %c0_i32 = arith.constant 0 : i32
    %c0_i32_0 = arith.constant 0 : i32
    %c0_i32_1 = arith.constant 0 : i32
    return %c0_i32, %c0_i32_0 : i32, i32
  }
  func.func @transform_4(%arg0: i32) -> (i32, i32) {
    %c0_i32 = arith.constant 0 : i32
    %c0_i32_0 = arith.constant 0 : i32
    %c0_i32_1 = arith.constant 0 : i32
    return %c0_i32, %c0_i32_0 : i32, i32
  }
  func.func @transform_5(%arg0: i32) -> (i32, i32) {
    %c0_i32 = arith.constant 0 : i32
    %c0_i32_0 = arith.constant 0 : i32
    %c0_i32_1 = arith.constant 0 : i32
    return %c0_i32, %c0_i32_0 : i32, i32
  }
  func.func @transform_6(%arg0: i32) -> (i32, i32) {
    %c0_i32 = arith.constant 0 : i32
    %c0_i32_0 = arith.constant 0 : i32
    return %arg0, %c0_i32 : i32, i32
  }
}

</mosaic_0001>

<sc_bundles>
// kernel: kernel.6.cloned.1.call-start
scs
__scs_entry_jumppad:
0x0: {  	(pc) =	sbr.rel $0x88, $3  }
0x1: {  	(tag) =	ssettag $0x0;
	lr =	simm.s32 $0x1  }
0x2: {  	[smem:$0x3F99] =	sst lr;
	_ =	strace $0xD0000000  }
0x3: {  	_ = 	snop  }
0x4: {  	_ = 	snop  }
0x5: {  	_ = 	snop  }
0x6: {  	_ = 	snop  }
0x7: {  	_ = 	snop  }
__scs_overlays_trampoline_lowered:
0x8: {  	[smem:$0x3FA8] =	sst s0  }
0x9: {  	[smem:$0x3FA9] =	sst s1  }
0xa: {  	[smem:$0x3FAA] =	sst s2  }
0xb: {  	[smem:$0x3FAB] =	sst s3  }
0xc: {  	[smem:$0x3FAC] =	sst s4  }
0xd: {  	[smem:$0x3FAD] =	sst s5  }
0xe: {  	[smem:$0x3FAE] =	sst s6  }
0xf: {  	[smem:$0x3FAF] =	sst s7  }
0x10: {  	[smem:$0x3FB0] =	sst s8  }
0x11: {  	[smem:$0x3FB1] =	sst s9;
	s0 =	simm.s32 @!p0 $0x0  }
0x12: {  	s1 =	sld [smem:$0x3F97];
	s0 =	simm.s32 @p0 $0x1  }
0x13: {  	[smem:$0x3FB2] =	sst s0;
	s0 =	simm.s32 @!p1 $0x0  }
0x14: {  	s2 =	sld [smem:$0x3F96];
	s0 =	simm.s32 @p1 $0x1  }
0x15: {  	[smem:$0x3FB3] =	sst s0;
	s0 =	simm.s32 @!p2 $0x0  }
0x16: {  	s3 =	sld [smem:$0x3FDB];
	s0 =	simm.s32 @p2 $0x1  }
0x17: {  	s4 =	simm.s32 $0x1BF5;
	[smem:$0x3FB5] =	sst s0  }
0x18: {  	s0 =	sld [smem:$0x3F98];
	_ =	swait.ge [sflag:s4], $0x0  }
0x19: {  	s7 =	sld [smem:$0x3F99]  }
0x1a: {  	s8 =	sadd.s32 $0xFFFFE003, lr  }
0x1b: {  	s9 =	sadd.s32 $0xFFFFFEF7, lr;
	s5 =	simm.s32 $0xFFFFFFFF;
	p2 =	slt.u32 s8, $0xFFFFF086  }
0x1c: {  	p1 =	slt.u32 s9, $0xF7A;
	s5 =	simm.s32 @!p2 $0x0  }
0x1d: {  	s5 =	simm.s32 @p1 $0x1;
	p0 =	seq.s32 s7, s2  }
0x1e: {  	s7 =	smul.u32 @!p0 $0xF7A, s2;
	p2 =	seq.s32 @!p0 s5, $0x0  }
0x1f: {  	s9 =	smul.u32 $0xF7A, s1;
	s8 =	simm.s32 @!p0 $0x1BF5;
	p2 =	por !p2, p0  }
0x20: {  	[sflag:s8] =	ssyncset.s32 @!p0 $0xFFFFF086;
	s6 =	sadd.s32 @!p0 s3, s7;
	s7 =	simm.s32 @!p0 $0x108  }
0x21: {  	s3 =	sadd.s32 s3, s9;
	s6 =	sadd.s32 @!p0 $0x88, s6;
	s7 =	simm.s32 @p2 $0x1082  }
0x22: {  	[simem:s7], [sflag:s8] =	dma.local @!p0 [hbm:s6], $0xF7A  }
0x23: {  	s9 =	sor.u32 $0xD0000000, s2;
	s6 =	simm.s32 $0x108;
	_ =	swait.ge @!p0 [sflag:s8], $0x0  }
0x24: {  	s3 =	sadd.s32 $0x88, s3;
	s6 =	simm.s32 @!p1 $0x1082;
	[sflag:s4] =	ssyncset.s32 $0xFFFFF086  }
0x25: {  	[simem:s6], [sflag:s4] =	dma.local [hbm:s3], $0xF7A  }
0x26: {  	[smem:$0x3F99] =	sst s1;
	(tag) =	ssettag s2;
	_ =	strace s9  }
0x27: {  	s1 =	sld [smem:$0x3FA9]  }
0x28: {  	s2 =	sld [smem:$0x3FAA]  }
0x29: {  	s4 =	sld [smem:$0x3FAC]  }
0x2a: {  	p0 =	seq.s32 s5, $0x0;
	s5 =	sld [smem:$0x3FAD]  }
0x2b: {  	s6 =	sld [smem:$0x3FAE]  }
0x2c: {  	s7 =	sld [smem:$0x3FAF]  }
0x2d: {  	s3 =	simm.s32 $0x108;
	s8 =	sld [smem:$0x3FB0]  }
0x2e: {  	s3 =	simm.s32 @!p0 $0x1082;
	s9 =	sld [smem:$0x3FB1]  }
0x2f: {  	lr =	sadd.s32 s0, s3;
	s0 =	sld [smem:$0x3FA8]  }
0x30: {  	s3 =	sld [smem:$0x3FAB]  }
0x31: {  	[smem:$0x3FB4] =	sst s10  }
0x32: {  	s10 =	sld [smem:$0x3FB2];
	_ =	sdelay $0x3  }
0x33: {  	p0 =	seq.s32 s10, $0x1;
	s10 =	sld [smem:$0x3FB4];
	_ =	sdelay $0x3  }
0x34: {  	[smem:$0x3FB4] =	sst s10  }
0x35: {  	s10 =	sld [smem:$0x3FB3];
	_ =	sdelay $0x3  }
0x36: {  	p1 =	seq.s32 s10, $0x1;
	s10 =	sld [smem:$0x3FB4];
	_ =	sdelay $0x3  }
0x37: {  	[smem:$0x3FB4] =	sst s10  }
0x38: {  	s10 =	sld [smem:$0x3FB5]  }
0x39: {  	_ = 	snop;
	(pc) =	sbr.ind lr, $3  }
0x3a: {  	_ = 	snop  }
0x3b: {  	_ = 	snop  }
0x3c: {  	p2 =	seq.s32 s10, $0x1;
	s10 =	sld [smem:$0x3FB4]  }
0x3d: {  	_ =	shalt  }
0x3e: {  	_ =	shalt  }
0x3f: {  	_ =	shalt  }
0x40: {  	_ =	shalt  }
0x41: {  	_ =	shalt  }
0x42: {  	_ =	shalt  }
0x43: {  	_ =	shalt  }
0x44: {  	_ =	shalt  }
0x45: {  	_ =	shalt  }
0x46: {  	_ =	shalt  }
0x47: {  	_ =	shalt  }
0x48: {  	_ =	shalt  }
0x49: {  	_ =	shalt  }
0x4a: {  	_ =	shalt  }
0x4b: {  	_ =	shalt  }
0x4c: {  	_ =	shalt  }
0x4d: {  	_ =	shalt  }
0x4e: {  	_ =	shalt  }
0x4f: {  	_ =	shalt  }
0x50: {  	_ =	shalt  }
0x51: {  	_ =	shalt  }
0x52: {  	_ =	shalt  }
0x53: {  	_ =	shalt  }
0x54: {  	_ =	shalt  }
0x55: {  	_ =	shalt  }
0x56: {  	_ =	shalt  }
0x57: {  	_ =	shalt  }
0x58: {  	_ =	shalt  }
0x59: {  	_ =	shalt  }
0x5a: {  	_ =	shalt  }
0x5b: {  	_ =	shalt  }
0x5c: {  	_ =	shalt  }
0x5d: {  	_ =	shalt  }
0x5e: {  	_ =	shalt  }
0x5f: {  	_ =	shalt  }
0x60: {  	_ =	shalt  }
0x61: {  	_ =	shalt  }
0x62: {  	_ =	shalt  }
0x63: {  	_ =	shalt  }
0x64: {  	_ =	shalt  }
0x65: {  	_ =	shalt  }
0x66: {  	_ =	shalt  }
0x67: {  	_ =	shalt  }
0x68: {  	_ =	shalt  }
0x69: {  	_ =	shalt  }
0x6a: {  	_ =	shalt  }
0x6b: {  	_ =	shalt  }
0x6c: {  	_ =	shalt  }
0x6d: {  	_ =	shalt  }
0x6e: {  	_ =	shalt  }
0x6f: {  	_ =	shalt  }
0x70: {  	_ =	shalt  }
0x71: {  	_ =	shalt  }
0x72: {  	_ =	shalt  }
0x73: {  	_ =	shalt  }
0x74: {  	_ =	shalt  }
0x75: {  	_ =	shalt  }
0x76: {  	_ =	shalt  }
0x77: {  	_ =	shalt  }
0x78: {  	_ =	shalt  }
0x79: {  	_ =	shalt  }
0x7a: {  	_ =	shalt  }
0x7b: {  	_ =	shalt  }
0x7c: {  	_ =	shalt  }
0x7d: {  	_ =	shalt  }
0x7e: {  	_ =	shalt  }
0x7f: {  	_ =	shalt  }
0x80: {  	_ =	shalt  }
0x81: {  	_ =	shalt  }
0x82: {  	_ =	shalt  }
0x83: {  	_ =	shalt  }
0x84: {  	_ =	shalt  }
0x85: {  	_ =	shalt  }
0x86: {  	_ =	shalt  }
0x87: {  	_ =	shalt  }
.Lfunc_end0:
.L_simem_size_0:
called_computation_lowered:
.L_overlay_start_0:
0x88: {  	s2 =	sld [smem:$0x3FD9]  }
0x89: {  	s3 =	sld [smem:$0x3FFE];
	_ =	sdelay $0x1  }
0x8a: {  	s1 =	srdreg.scid  }
0x8b: {  	s0 =	sand.u32 $0x1, s1  }
0x8c: {  	s17 =	sshll.u32 s0, $0xA;
	s2 =	sadd.s32 s3, s2  }
0x8d: {  	s2 =	sadd.s32 s2, s17  }
0x8e: {  	[smem:$0x3FC0] =	sst s2  }
0x8f: {  	_ = 	snop  }
0x90: {  	s2 =	sld [smem:$0x3FC9]  }
0x91: {  	s18 =	sld [smem:$0x3FD0];
	(tm) =	ssettm $0x1  }
0x92: {  	s4 =	sld [smem:$0x3FFB];
	_ =	sdelay $0x3  }
0x93: {  	_ =	strace s4  }
0x94: {  	s4 =	sld [smem:$0x3FFC];
	_ =	sdelay $0x3  }
0x95: {  	_ =	strace s4  }
0x96: {  	s4 =	sld [smem:$0x3FFD];
	_ =	sdelay $0x3  }
0x97: {  	_ =	strace s4  }
0x98: {  	_ =	strace $0x8FFFFFFF  }
0x99: {  	s19 =	sld [smem:$0x3FDB];
	_ =	sdelay $0x1  }
0x9a: {  	s5 =	simm.s32 $_scs_section_size  }
0x9b: {  	s6 =	simm.s32 $_size__tile_overlayer_lowered;
	s7 =	simm.s32 $_tile_overlayer_lowered  }
0x9c: {  	s22 =	simm.s32 $0x1BFF;
	s21 =	sshll.u32 s7, $0x1;
	s4 =	sadd.s32 s5, s19  }
0x9d: {  	s8 =	simm.s32 $0x0;
	s20 =	sshll.u32 s6, $0x1;
	s6 =	sadd.s32 s21, s4  }
0x9e: {  	[timem:s8], [sflag:s22] =	dma.local [hbm:s6], s20  }
0x9f: {  	_ =	swait.ge [sflag:s22], s20  }
0xa0: {  	s5 =	ssub.s32 $0x0, s20;
	[sflag:s22] =	ssyncset.done $0x0  }
0xa1: {  	[sflag:s22] =	ssyncadd.s32 s5;
	_ =	sdelay $0x1  }
0xa2: {  	s23 =	simm.s32 $0x1B8B  }
0xa3: {  	_ =	swait.ge [sflag:s23], $0x1  }
0xa4: {  	[sflag:s23] =	ssyncset.done $0x0  }
0xa5: {  	s25 =	simm.s32 $0x1B8E;
	s24 =	sld [smem:$0x3FFE];
	[sflag:s23] =	ssyncadd.s32 $0xFFFFFFFF  }
0xa6: {  	s26 =	simm.s32 $execute0_lowered;
	[smem:$0x3FD2] =	sst s25  }
0xa7: {  	s6 =	sshll.u32 s26, $0x1;
	_ =	strace $0x80000046;
	[dreg:$0x1] =	wrdreg $0xFFFFFFFF  }
0xa8: {  	s28 =	simm.s32 $_size_execute0_lowered;
	s4 =	sadd.s32 s4, s6;
	[dreg:$0x0] =	wrdreg $0x0  }
0xa9: {  	s6 =	sshll.u32 s28, $0x1;
	[dreg:$0x2] =	wrdreg s4  }
0xaa: {  	[dreg:$0x3] =	wrdreg s6  }
0xab: {  	[dreg:$0x4] =	wrdreg $0xC0  }
0xac: {  	_ =	task [dreg:s8], $0x5FFFF  }
0xad: {  	[dreg:$0x1] =	wrdreg $0xFFFFFFFF  }
0xae: {  	[dreg:$0x0] =	wrdreg $0x60  }
0xaf: {  	[dreg:$0x2] =	wrdreg s2  }
0xb0: {  	[dreg:$0x3] =	wrdreg s24  }
0xb1: {  	[dreg:$0x4] =	wrdreg s18  }
0xb2: {  	[dreg:$0x5] =	wrdreg $0x9C800  }
0xb3: {  	[dreg:$0x6] =	wrdreg $0x1DC800  }
0xb4: {  	[dreg:$0x7] =	wrdreg $0x9  }
0xb5: {  	_ =	task.clear_ibuf [dreg:s8], $0x8FFFF;
	_ =	strace $0x90000046  }
0xb6: {  	s29 =	simm.s32 $0x9;
	_ =	strace $0x80000048  }
0xb7: {  	_ =	swait.ge [sflag:s29], $0x1  }
0xb8: {  	[sflag:s29] =	ssyncadd.s32 $0xFFFFFFFF  }
0xb9: {  	_ =	strace $0x90000048  }
0xba: {  	_ =	sfence  }
0xbb: {  	s30 =	sld [smem:$0x0];
	_ =	sdelay $0x2  }
0xbc: {  	s31 =	sshll.u32 s1, $0xD;
	s1 =	sshrl.u32 s1, $0x2  }
0xbd: {  	s3 =	sand.u32 $0x4000, s31;
	s1 =	sadd.s32 s1, s30  }
0xbe: {  	s0 =	sor.u32 s3, s0;
	s1 =	sshll.u32 s1, $0x11  }
0xbf: {  	s0 =	sor.u32 s1, s0  }
0xc0: {  	s0 =	sadd.s32 $0x8F2B, s0  }
0xc1: {  	[sflag:s0] =	ssyncadd.remote.s32 $0x1  }
0xc2: {  	_ =	sfence.sel $0xFFFF  }
0xc3: {  	[dreg:$0x0] =	wrdreg $0xFFFFFFFF;
	(pc) =	sbr.abs _section_cstart, $3  }
0xc4: {  	[dreg:$0x1] =	wrdreg $0xFFFFFFFF  }
0xc5: {  	_ =	task.clear_ibuf [dreg:s8], $0x2FFFF;
	_ =	strace $0x9FFFFFFF  }
0xc6: {  	(tm) =	ssettm $0x7FFFFFFF  }
0xc7: {  	_ =	shalt  }
tec
execute0_lowered:
.L_overlay_start_1:
0x0: {  	(tag) =	ssettag $0x1  }
0x1: {  	s0 =	rddreg [dreg:$0x0]  }
0x2: {  	s1 =	rddreg [dreg:$0x1]  }
0x3: {  	s2 =	rddreg [dreg:$0x2]  }
0x4: {  	s3 =	rddreg [dreg:$0x3];
	s5 =	srdreg.scid  }
0x5: {  	s4 =	rddreg [dreg:$0x4];
	s15 =	stileid.u32;
	s16 =	simm.s32 $0x4  }
0x6: {  	s18 =	simm.s32 $0x2000;
	s19 =	simm.s32 $0x50;
	s28 =	simm.s32 $0x2  }
0x7: {  	s29 =	simm.s32 $0x3;
	s30 =	simm.s32 $0x100;
	s31 =	simm.s32 $0x2080  }
0x8: {  	s17 =	simm.s32 $0x3F00;
	s7 =	sand.u32 $0x1, s5;
	s5 =	simm.s32 $0x0  }
0x9: {  	s8 =	smul.u32 $0x1F400, s15;
	s20 =	sadd.s32 $0x2000, s1;
	s11 =	sadd.s32 $0x12000, s1  }
0xa: {  	s22 =	sshll.u32 s15, $0x11;
	s10 =	sshll.u32 s15, $0xC;
	s23 =	smul.u32 $0x7D000, s15  }
0xb: {  	s25 =	sshll.u32 s15, $0xA;
	p0 =	sgt.u32 s15, $0x9;
	s15 =	simm.s32 $0x9080  }
0xc: {  	s6 =	smul.u32 $0x138800, s7;
	[smem:$0x7FF] =	sst s5;
	s9 =	ssub.s32 $0x2, s7  }
0xd: {  	s12 =	sshrl.u32 s10, $0x2;
	s13 =	sshll.u32 s7, $0xB;
	s7 =	smul.u32 $0x2800, s7  }
0xe: {  	_ =	strace $0x80000047;
	s21 =	sshrl.u32 s9, $0x1;
	s12 =	sadd.s32 s12, s4  }
0xf: {  	s10 =	sor.u32 s13, s10;
	s26 =	sshrl.u32 s23, $0x2;
	s23 =	simm.s32 $0x6800  }
0x10: {  	s6 =	sadd.s32 s8, s6;
	s9 =	ssub.s32 s9, s21;
	[dreg:$0x6] =	wrdreg s12  }
0x11: {  	s13 =	sadd.s32 s20, s10;
	s24 =	sor.u32 $0x400, s10;
	s10 =	sadd.s32 s11, s10  }
0x12: {  	s7 =	sadd.s32 s25, s7;
	s21 =	simm.s32 $0x1;
	[dreg:$0x7] =	wrdreg s13  }
0x13: {  	s6 =	sshrl.u32 s6, $0x3;
	[dreg:$0x8] =	wrdreg s10;
	s8 =	sadd.s32 s20, s24  }
0x14: {  	s11 =	sadd.s32 s11, s24;
	s7 =	sshrl.u32 s7, $0x3;
	s14 =	smax.u32 s9, $0x1  }
0x15: {  	s20 =	simm.s32 $0x4000;
	s1 =	sadd.s32 s6, s1;
	s6 =	sadd.s32 s22, s3  }
0x16: {  	[dreg:$0x9] =	wrdreg s8;
	s13 =	sadd.s32 s2, s7;
	s2 =	sadd.s32 s25, s4  }
0x17: {  	s22 =	simm.s32 $0x80;
	s7 =	simm.s32 $0x3F80;
	s12 =	sadd.s32 $0x22000, s1  }
0x18: {  	s1 =	sadd.s32 s26, s3;
	s25 =	sshrl.u32 @!p0 s2, $0x3;
	s26 =	simm.s32 $0x9000  }
0x19: {  	v0 =	vimm.f32 $0.0e+00;
	v1 =	vimm.f32 $1.000000000e+00;
	s2 =	simm.s32 $0x0;
	s24 =	sshrl.u32 @!p0 s1, $0x3;
	s1 =	simm.s32 $0x1F80  }
.LBB2_1:
0x1a: {  	s8 =	simm.s32 $0x0;
	s9 =	simm.s32 $0x200  }
.LBB2_2:
0x1b: {  	p1 =	sne.s32 s9, $0x1E00;
	[tilespmem:s8+$0x90F0] =	vst v0  }
0x1c: {  	[tilespmem:s8+$0x9080] =	vst v0  }
0x1d: {  	[tilespmem:s8+$0x9090] =	vst v0  }
.Ltmp0:
0x1e: {  	[tilespmem:s8+$0x90A0] =	vst v0;
	(pc) =	sbr.rel @p1 .LBB2_2-.Ltmp0, $4  }
0x1f: {  	[tilespmem:s8+$0x90B0] =	vst v0  }
0x20: {  	[tilespmem:s8+$0x90C0] =	vst v0  }
0x21: {  	[tilespmem:s8+$0x90D0] =	vst v0  }
0x22: {  	[tilespmem:s8+$0x90E0] =	vst v0;
	s8 =	sshra.s32 s9, $0x2;
	s9 =	sadd.s32 $0x200, s9  }
0x23: {  	[tilespmem:s8+$0x90F0] =	vst v0  }
0x24: {  	[tilespmem:s8+$0x9080] =	vst v0  }
0x25: {  	[tilespmem:s8+$0x9090] =	vst v0  }
0x26: {  	[tilespmem:s8+$0x90A0] =	vst v0  }
0x27: {  	[tilespmem:s8+$0x90B0] =	vst v0  }
0x28: {  	[tilespmem:s8+$0x90C0] =	vst v0  }
0x29: {  	[tilespmem:s8+$0x90D0] =	vst v0  }
0x2a: {  	[tilespmem:s8+$0x90E0] =	vst v0;
	s8 =	simm.s32 $0x40;
	s9 =	simm.s32 $0x0  }
.LBB2_4:
0x2b: {  	p1 =	sne.s32 s8, $0xFC0;
	[tilespmem:s9+$0x9880] =	vst v0;
	s9 =	smov.u32 s8;
	s8 =	sadd.s32 $0x40, s8  }
.Ltmp1:
0x2c: {  	(pc) =	sbr.rel @p1 .LBB2_4-.Ltmp1, $2  }
0x2d: {  	_ =	sdelay $0x2  }
0x2e: {  	s9 =	sshra.s32 s9, $0x2  }
0x2f: {  	[tilespmem:s9+$0x9880] =	vst v0  }
.Ltmp2:
0x30: {  	[tilespmem:$0x9000] =	vst v1;
	(pc) =	sbr.rel @p0 .LBB2_9-.Ltmp2, $4  }
0x31: {  	[tilespmem:$0x9010] =	vst v1  }
0x32: {  	[tilespmem:$0x9020] =	vst v1  }
0x33: {  	[tilespmem:$0x9030] =	vst v1  }
0x34: {  	[tilespmem:$0x9040] =	vst v1  }
0x35: {  	s8 =	sadd.s32 $0x0, s6  }
0x36: {  	[spmem:s8] =	stream.linear.scatter [tilespmem:s15], [sflag:$0x4], $0x800, $0x38;
	[tilespmem:$0x1DF00] =	vst v63  }
0x37: {  	s8 =	simm.s32 $0x2000;
	_ =	swait.ge [sflag:s16], $0x800  }
.LBB2_7:
0x38: {  	s9 =	sshra.s32 s8, $0x2;
	[sflag:s16] =	ssyncset.done $0x0;
	p1 =	sne.s32 s8, $0x7E000  }
.Ltmp3:
0x39: {  	s9 =	sadd.s32 s9, s6;
	[sflag:s16] =	ssyncadd.s32 $0xFFFFF800;
	(pc) =	sbr.rel @p1 .LBB2_7-.Ltmp3, $3  }
0x3a: {  	[spmem:s9] =	stream.linear.scatter [tilespmem:s15], [sflag:$0x4], $0x800, $0x38;
	[tilespmem:$0x1DF00] =	vst v63  }
0x3b: {  	s8 =	sadd.s32 $0x2000, s8;
	_ =	sdelay $0x1  }
0x3c: {  	_ =	swait.ge [sflag:s16], $0x800  }
0x3d: {  	[sflag:s16] =	ssyncset.done $0x0  }
0x3e: {  	s8 =	rddreg [dreg:$0x6];
	s9 =	simm.s32 $0x9880;
	[sflag:s16] =	ssyncadd.s32 $0xFFFFF800  }
0x3f: {  	[spmem:s8] =	stream.linear.scatter [tilespmem:s9], [sflag:$0x4], $0x400, $0x38;
	[tilespmem:$0x1DF00] =	vst v63  }
0x40: {  	_ =	swait.ge [sflag:s16], $0x400  }
0x41: {  	[sflag:s16] =	ssyncset.done $0x0  }
0x42: {  	[sflag:s16] =	ssyncadd.s32 $0xFFFFFC00  }
.LBB2_9:
0x43: {  	[bflag:$0x0] =	sbarrier.arrive $0xFFFF  }
0x44: {  	s8 =	rddreg [dreg:$0x7]  }
0x45: {  	[tilespmem:s5], [sflag:$0x4] =	stream.linear.gather [hbm4b:s8+s5], $0x2000, $0x38;
	[tilespmem:$0x1DF00] =	vst v63  }
0x46: {  	_ =	swait.ge [sflag:s16], $0x2000  }
0x47: {  	[sflag:s16] =	ssyncset.done $0x0  }
0x48: {  	s9 =	rddreg [dreg:$0x8];
	[sflag:s16] =	ssyncadd.s32 $0xFFFFE000  }
0x49: {  	[tilespmem:s18], [sflag:$0x4] =	stream.linear.gather [hbm4b:s9+s5], $0x2000, $0x38;
	[tilespmem:$0x1DF00] =	vst v63  }
0x4a: {  	_ =	swait.ge [sflag:s16], $0x2000  }
0x4b: {  	[sflag:s16] =	ssyncset.done $0x0  }
0x4c: {  	[sflag:s16] =	ssyncadd.s32 $0xFFFFE000  }
0x4d: {  	[tilespmem:s20], [sflag:$0x1] =	stream.indirect.gather [hbm4b:s0+s19], $0x80, s5, s19, $0xb8;
	[tilespmem:$0x1DF00] =	vst v63  }
0x4e: {  	_ =	swait.ge [sflag:s21], $0x2800  }
0x4f: {  	[sflag:s21] =	ssyncset.done $0x0  }
0x50: {  	[sflag:s21] =	ssyncadd.s32 $0xFFFFD800  }
0x51: {  	[tilespmem:s23], [sflag:$0x1] =	stream.indirect.gather [hbm4b:s0+s19], $0x80, s22, s19, $0xb8;
	[tilespmem:$0x1DF00] =	vst v63  }
0x52: {  	_ = 	snop  }
0x53: {  	[spmem:s3] =	stream.indirect.scatter.add.f32 [tilespmem:s20], [sflag:$0x2], $0x80, s18, s19, $0xb8;
	[tilespmem:$0x1DF00] =	vst v63  }
0x54: {  	_ = 	snop  }
0x55: {  	[spmem:s4] =	stream.indirect.scatter.add.f32 [tilespmem:s26], [sflag:$0x3], $0x1, s18, s19, $0xb8;
	[tilespmem:$0x1DF00] =	vst v63  }
0x56: {  	_ =	swait.ge [sflag:s21], $0x2800  }
0x57: {  	[sflag:s21] =	ssyncset.done $0x0  }
0x58: {  	[sflag:s21] =	ssyncadd.s32 $0xFFFFD800  }
0x59: {  	_ =	swait.ge [sflag:s28], $0x2800  }
0x5a: {  	[sflag:s28] =	ssyncset.done $0x0  }
0x5b: {  	[sflag:s28] =	ssyncadd.s32 $0xFFFFD800  }
0x5c: {  	_ =	swait.ge [sflag:s29], $0x50  }
0x5d: {  	[sflag:s29] =	ssyncset.done $0x0  }
0x5e: {  	[sflag:s29] =	ssyncadd.s32 $0xFFFFFFB0  }
0x5f: {  	[tilespmem:s20], [sflag:$0x1] =	stream.indirect.gather [hbm4b:s0+s19], $0x80, s30, s19, $0xb8;
	[tilespmem:$0x1DF00] =	vst v63  }
0x60: {  	_ = 	snop  }
0x61: {  	[spmem:s3] =	stream.indirect.scatter.add.f32 [tilespmem:s23], [sflag:$0x2], $0x80, s31, s19, $0xb8;
	[tilespmem:$0x1DF00] =	vst v63  }
0x62: {  	_ = 	snop  }
0x63: {  	[spmem:s4] =	stream.indirect.scatter.add.f32 [tilespmem:s26], [sflag:$0x3], $0x1, s31, s19, $0xb8;
	[tilespmem:$0x1DF00] =	vst v63  }
0x64: {  	_ =	swait.ge [sflag:s21], $0x2800  }
0x65: {  	[sflag:s21] =	ssyncset.done $0x0  }
0x66: {  	[sflag:s21] =	ssyncadd.s32 $0xFFFFD800  }
0x67: {  	_ =	swait.ge [sflag:s28], $0x2800  }
0x68: {  	[sflag:s28] =	ssyncset.done $0x0  }
0x69: {  	[sflag:s28] =	ssyncadd.s32 $0xFFFFD800  }
0x6a: {  	_ =	swait.ge [sflag:s29], $0x50  }
0x6b: {  	[sflag:s29] =	ssyncset.done $0x0  }
0x6c: {  	s10 =	simm.s32 $0x180;
	[sflag:s29] =	ssyncadd.s32 $0xFFFFFFB0  }
0x6d: {  	[tilespmem:s23], [sflag:$0x1] =	stream.indirect.gather [hbm4b:s0+s19], $0x80, s10, s19, $0xb8;
	[tilespmem:$0x1DF00] =	vst v63  }
0x6e: {  	s9 =	simm.s32 $0x2100  }
0x6f: {  	[spmem:s3] =	stream.indirect.scatter.add.f32 [tilespmem:s20], [sflag:$0x2], $0x80, s9, s19, $0xb8;
	[tilespmem:$0x1DF00] =	vst v63  }
0x70: {  	_ = 	snop  }
0x71: {  	[spmem:s4] =	stream.indirect.scatter.add.f32 [tilespmem:s26], [sflag:$0x3], $0x1, s9, s19, $0xb8;
	[tilespmem:$0x1DF00] =	vst v63  }
0x72: {  	_ =	swait.ge [sflag:s21], $0x2800  }
0x73: {  	[sflag:s21] =	ssyncset.done $0x0  }
0x74: {  	[sflag:s21] =	ssyncadd.s32 $0xFFFFD800  }
0x75: {  	_ =	swait.ge [sflag:s28], $0x2800  }
0x76: {  	[sflag:s28] =	ssyncset.done $0x0  }
0x77: {  	[sflag:s28] =	ssyncadd.s32 $0xFFFFD800  }
0x78: {  	_ =	swait.ge [sflag:s29], $0x50  }
0x79: {  	[sflag:s29] =	ssyncset.done $0x0  }
0x7a: {  	s10 =	simm.s32 $0x200;
	[sflag:s29] =	ssyncadd.s32 $0xFFFFFFB0  }
0x7b: {  	[tilespmem:s20], [sflag:$0x1] =	stream.indirect.gather [hbm4b:s0+s19], $0x80, s10, s19, $0xb8;
	[tilespmem:$0x1DF00] =	vst v63  }
0x7c: {  	s8 =	simm.s32 $0xFFFF8C00;
	s9 =	simm.s32 $0x2180  }
0x7d: {  	[spmem:s3] =	stream.indirect.scatter.add.f32 [tilespmem:s23], [sflag:$0x2], $0x80, s9, s19, $0xb8;
	[tilespmem:$0x1DF00] =	vst v63  }
.LBB2_10:
0x7e: {  	[spmem:s4] =	stream.indirect.scatter.add.f32 [tilespmem:s26], [sflag:$0x3], $0x1, s9, s19, $0xb8;
	[tilespmem:$0x1DF00] =	vst v63  }
0x7f: {  	s9 =	smov.u32 s8  }
0x80: {  	p1 =	sne.s32 s8, $0xFFFFFC00;
	s8 =	sadd.s32 $0x400, s8;
	_ =	swait.ge [sflag:s21], $0x2800  }
0x81: {  	[sflag:s21] =	ssyncset.done $0x0  }
0x82: {  	[sflag:s21] =	ssyncadd.s32 $0xFFFFD800  }
0x83: {  	_ =	swait.ge [sflag:s28], $0x2800  }
0x84: {  	[sflag:s28] =	ssyncset.done $0x0  }
0x85: {  	[sflag:s28] =	ssyncadd.s32 $0xFFFFD800  }
0x86: {  	_ =	swait.ge [sflag:s29], $0x50  }
0x87: {  	s9 =	sshra.s32 s9, $0x2;
	[sflag:s29] =	ssyncset.done $0x0  }
0x88: {  	s10 =	sadd.s32 $0x1F80, s9;
	[sflag:s29] =	ssyncadd.s32 $0xFFFFFFB0  }
0x89: {  	[tilespmem:s23], [sflag:$0x1] =	stream.indirect.gather [hbm4b:s0+s19], $0x80, s10, s19, $0xb8;
	[tilespmem:$0x1DF00] =	vst v63  }
0x8a: {  	s10 =	sadd.s32 $0x3F00, s9  }
0x8b: {  	[spmem:s3] =	stream.indirect.scatter.add.f32 [tilespmem:s20], [sflag:$0x2], $0x80, s10, s19, $0xb8;
	[tilespmem:$0x1DF00] =	vst v63  }
0x8c: {  	_ = 	snop  }
0x8d: {  	[spmem:s4] =	stream.indirect.scatter.add.f32 [tilespmem:s26], [sflag:$0x3], $0x1, s10, s19, $0xb8;
	[tilespmem:$0x1DF00] =	vst v63  }
0x8e: {  	_ =	swait.ge [sflag:s21], $0x2800  }
0x8f: {  	[sflag:s21] =	ssyncset.done $0x0  }
0x90: {  	[sflag:s21] =	ssyncadd.s32 $0xFFFFD800  }
0x91: {  	_ =	swait.ge [sflag:s28], $0x2800  }
0x92: {  	[sflag:s28] =	ssyncset.done $0x0  }
0x93: {  	[sflag:s28] =	ssyncadd.s32 $0xFFFFD800  }
0x94: {  	_ =	swait.ge [sflag:s29], $0x50  }
.Ltmp4:
0x95: {  	[sflag:s29] =	ssyncset.done $0x0;
	(pc) =	sbr.rel @p1 .LBB2_10-.Ltmp4, $4  }
0x96: {  	s10 =	sadd.s32 $0x2000, s9;
	[sflag:s29] =	ssyncadd.s32 $0xFFFFFFB0  }
0x97: {  	[tilespmem:s20], [sflag:$0x1] =	stream.indirect.gather [hbm4b:s0+s19], $0x80, s10, s19, $0xb8;
	[tilespmem:$0x1DF00] =	vst v63  }
0x98: {  	s9 =	sadd.s32 $0x3F80, s9  }
0x99: {  	[spmem:s3] =	stream.indirect.scatter.add.f32 [tilespmem:s23], [sflag:$0x2], $0x80, s9, s19, $0xb8;
	[tilespmem:$0x1DF00] =	vst v63  }
0x9a: {  	[spmem:s4] =	stream.indirect.scatter.add.f32 [tilespmem:s26], [sflag:$0x3], $0x1, s9, s19, $0xb8;
	[tilespmem:$0x1DF00] =	vst v63  }
0x9b: {  	_ =	swait.ge [sflag:s21], $0x2800  }
0x9c: {  	[sflag:s21] =	ssyncset.done $0x0  }
0x9d: {  	[sflag:s21] =	ssyncadd.s32 $0xFFFFD800  }
0x9e: {  	_ =	swait.ge [sflag:s28], $0x2800  }
0x9f: {  	[sflag:s28] =	ssyncset.done $0x0  }
0xa0: {  	[sflag:s28] =	ssyncadd.s32 $0xFFFFD800  }
0xa1: {  	_ =	swait.ge [sflag:s29], $0x50  }
0xa2: {  	[sflag:s29] =	ssyncset.done $0x0  }
0xa3: {  	[sflag:s29] =	ssyncadd.s32 $0xFFFFFFB0  }
0xa4: {  	[tilespmem:s23], [sflag:$0x1] =	stream.indirect.gather [hbm4b:s0+s19], $0x80, s1, s19, $0xb8;
	[tilespmem:$0x1DF00] =	vst v63  }
0xa5: {  	_ = 	snop  }
0xa6: {  	[spmem:s3] =	stream.indirect.scatter.add.f32 [tilespmem:s20], [sflag:$0x2], $0x80, s17, s19, $0xb8;
	[tilespmem:$0x1DF00] =	vst v63  }
0xa7: {  	_ = 	snop  }
0xa8: {  	[spmem:s4] =	stream.indirect.scatter.add.f32 [tilespmem:s26], [sflag:$0x3], $0x1, s17, s19, $0xb8;
	[tilespmem:$0x1DF00] =	vst v63  }
0xa9: {  	_ =	swait.ge [sflag:s21], $0x2800  }
0xaa: {  	[sflag:s21] =	ssyncset.done $0x0  }
0xab: {  	[sflag:s21] =	ssyncadd.s32 $0xFFFFD800  }
0xac: {  	_ =	swait.ge [sflag:s28], $0x2800  }
0xad: {  	[sflag:s28] =	ssyncset.done $0x0  }
0xae: {  	[sflag:s28] =	ssyncadd.s32 $0xFFFFD800  }
0xaf: {  	_ =	swait.ge [sflag:s29], $0x50  }
0xb0: {  	[sflag:s29] =	ssyncset.done $0x0  }
0xb1: {  	[sflag:s29] =	ssyncadd.s32 $0xFFFFFFB0  }
0xb2: {  	[spmem:s3] =	stream.indirect.scatter.add.f32 [tilespmem:s23], [sflag:$0x2], $0x80, s7, s19, $0xb8;
	[tilespmem:$0x1DF00] =	vst v63  }
0xb3: {  	_ = 	snop  }
0xb4: {  	[spmem:s4] =	stream.indirect.scatter.add.f32 [tilespmem:s26], [sflag:$0x3], $0x1, s7, s19, $0xb8;
	[tilespmem:$0x1DF00] =	vst v63  }
0xb5: {  	_ =	swait.ge [sflag:s28], $0x2800  }
0xb6: {  	[sflag:s28] =	ssyncset.done $0x0  }
0xb7: {  	[sflag:s28] =	ssyncadd.s32 $0xFFFFD800  }
0xb8: {  	_ =	swait.ge [sflag:s29], $0x50  }
0xb9: {  	[sflag:s29] =	ssyncset.done $0x0  }
0xba: {  	s8 =	rddreg [dreg:$0x9];
	[sflag:s29] =	ssyncadd.s32 $0xFFFFFFB0  }
0xbb: {  	[tilespmem:s5], [sflag:$0x4] =	stream.linear.gather [hbm4b:s8+s5], $0x2000, $0x38;
	[tilespmem:$0x1DF00] =	vst v63  }
0xbc: {  	_ =	swait.ge [sflag:s16], $0x2000  }
0xbd: {  	[sflag:s16] =	ssyncset.done $0x0  }
0xbe: {  	[sflag:s16] =	ssyncadd.s32 $0xFFFFE000  }
0xbf: {  	[tilespmem:s18], [sflag:$0x4] =	stream.linear.gather [hbm4b:s11+s5], $0x2000, $0x38;
	[tilespmem:$0x1DF00] =	vst v63  }
0xc0: {  	_ =	swait.ge [sflag:s16], $0x2000  }
0xc1: {  	[sflag:s16] =	ssyncset.done $0x0  }
0xc2: {  	[sflag:s16] =	ssyncadd.s32 $0xFFFFE000  }
0xc3: {  	[tilespmem:s20], [sflag:$0x1] =	stream.indirect.gather [hbm4b:s0+s19], $0x80, s5, s19, $0xb8;
	[tilespmem:$0x1DF00] =	vst v63  }
0xc4: {  	_ =	swait.ge [sflag:s21], $0x2800  }
0xc5: {  	[sflag:s21] =	ssyncset.done $0x0  }
0xc6: {  	[sflag:s21] =	ssyncadd.s32 $0xFFFFD800  }
0xc7: {  	[tilespmem:s23], [sflag:$0x1] =	stream.indirect.gather [hbm4b:s0+s19], $0x80, s22, s19, $0xb8;
	[tilespmem:$0x1DF00] =	vst v63  }
0xc8: {  	_ = 	snop  }
0xc9: {  	[spmem:s3] =	stream.indirect.scatter.add.f32 [tilespmem:s20], [sflag:$0x2], $0x80, s18, s19, $0xb8;
	[tilespmem:$0x1DF00] =	vst v63  }
0xca: {  	_ = 	snop  }
0xcb: {  	[spmem:s4] =	stream.indirect.scatter.add.f32 [tilespmem:s26], [sflag:$0x3], $0x1, s18, s19, $0xb8;
	[tilespmem:$0x1DF00] =	vst v63  }
0xcc: {  	_ =	swait.ge [sflag:s21], $0x2800  }
0xcd: {  	[sflag:s21] =	ssyncset.done $0x0  }
0xce: {  	[sflag:s21] =	ssyncadd.s32 $0xFFFFD800  }
0xcf: {  	_ =	swait.ge [sflag:s28], $0x2800  }
0xd0: {  	[sflag:s28] =	ssyncset.done $0x0  }
0xd1: {  	[sflag:s28] =	ssyncadd.s32 $0xFFFFD800  }
0xd2: {  	_ =	swait.ge [sflag:s29], $0x50  }
0xd3: {  	[sflag:s29] =	ssyncset.done $0x0  }
0xd4: {  	[sflag:s29] =	ssyncadd.s32 $0xFFFFFFB0  }
0xd5: {  	[tilespmem:s20], [sflag:$0x1] =	stream.indirect.gather [hbm4b:s0+s19], $0x80, s30, s19, $0xb8;
	[tilespmem:$0x1DF00] =	vst v63  }
0xd6: {  	_ = 	snop  }
0xd7: {  	[spmem:s3] =	stream.indirect.scatter.add.f32 [tilespmem:s23], [sflag:$0x2], $0x80, s31, s19, $0xb8;
	[tilespmem:$0x1DF00] =	vst v63  }
0xd8: {  	_ = 	snop  }
0xd9: {  	[spmem:s4] =	stream.indirect.scatter.add.f32 [tilespmem:s26], [sflag:$0x3], $0x1, s31, s19, $0xb8;
	[tilespmem:$0x1DF00] =	vst v63  }
0xda: {  	_ =	swait.ge [sflag:s21], $0x2800  }
0xdb: {  	[sflag:s21] =	ssyncset.done $0x0  }
0xdc: {  	[sflag:s21] =	ssyncadd.s32 $0xFFFFD800  }
0xdd: {  	_ =	swait.ge [sflag:s28], $0x2800  }
0xde: {  	[sflag:s28] =	ssyncset.done $0x0  }
0xdf: {  	[sflag:s28] =	ssyncadd.s32 $0xFFFFD800  }
0xe0: {  	_ =	swait.ge [sflag:s29], $0x50  }
0xe1: {  	[sflag:s29] =	ssyncset.done $0x0  }
0xe2: {  	s10 =	simm.s32 $0x180;
	[sflag:s29] =	ssyncadd.s32 $0xFFFFFFB0  }
0xe3: {  	[tilespmem:s23], [sflag:$0x1] =	stream.indirect.gather [hbm4b:s0+s19], $0x80, s10, s19, $0xb8;
	[tilespmem:$0x1DF00] =	vst v63  }
0xe4: {  	s9 =	simm.s32 $0x2100  }
0xe5: {  	[spmem:s3] =	stream.indirect.scatter.add.f32 [tilespmem:s20], [sflag:$0x2], $0x80, s9, s19, $0xb8;
	[tilespmem:$0x1DF00] =	vst v63  }
0xe6: {  	_ = 	snop  }
0xe7: {  	[spmem:s4] =	stream.indirect.scatter.add.f32 [tilespmem:s26], [sflag:$0x3], $0x1, s9, s19, $0xb8;
	[tilespmem:$0x1DF00] =	vst v63  }
0xe8: {  	_ =	swait.ge [sflag:s21], $0x2800  }
0xe9: {  	[sflag:s21] =	ssyncset.done $0x0  }
0xea: {  	[sflag:s21] =	ssyncadd.s32 $0xFFFFD800  }
0xeb: {  	_ =	swait.ge [sflag:s28], $0x2800  }
0xec: {  	[sflag:s28] =	ssyncset.done $0x0  }
0xed: {  	[sflag:s28] =	ssyncadd.s32 $0xFFFFD800  }
0xee: {  	_ =	swait.ge [sflag:s29], $0x50  }
0xef: {  	[sflag:s29] =	ssyncset.done $0x0  }
0xf0: {  	s10 =	simm.s32 $0x200;
	[sflag:s29] =	ssyncadd.s32 $0xFFFFFFB0  }
0xf1: {  	[tilespmem:s20], [sflag:$0x1] =	stream.indirect.gather [hbm4b:s0+s19], $0x80, s10, s19, $0xb8;
	[tilespmem:$0x1DF00] =	vst v63  }
0xf2: {  	s8 =	simm.s32 $0xFFFF8C00;
	s9 =	simm.s32 $0x2180  }
0xf3: {  	[spmem:s3] =	stream.indirect.scatter.add.f32 [tilespmem:s23], [sflag:$0x2], $0x80, s9, s19, $0xb8;
	[tilespmem:$0x1DF00] =	vst v63  }
.LBB2_12:
0xf4: {  	[spmem:s4] =	stream.indirect.scatter.add.f32 [tilespmem:s26], [sflag:$0x3], $0x1, s9, s19, $0xb8;
	[tilespmem:$0x1DF00] =	vst v63  }
0xf5: {  	s9 =	smov.u32 s8  }
0xf6: {  	p1 =	sne.s32 s8, $0xFFFFFC00;
	s8 =	sadd.s32 $0x400, s8;
	_ =	swait.ge [sflag:s21], $0x2800  }
0xf7: {  	[sflag:s21] =	ssyncset.done $0x0  }
0xf8: {  	[sflag:s21] =	ssyncadd.s32 $0xFFFFD800  }
0xf9: {  	_ =	swait.ge [sflag:s28], $0x2800  }
0xfa: {  	[sflag:s28] =	ssyncset.done $0x0  }
0xfb: {  	[sflag:s28] =	ssyncadd.s32 $0xFFFFD800  }
0xfc: {  	_ =	swait.ge [sflag:s29], $0x50  }
0xfd: {  	s9 =	sshra.s32 s9, $0x2;
	[sflag:s29] =	ssyncset.done $0x0  }
0xfe: {  	s10 =	sadd.s32 $0x1F80, s9;
	[sflag:s29] =	ssyncadd.s32 $0xFFFFFFB0  }
0xff: {  	[tilespmem:s23], [sflag:$0x1] =	stream.indirect.gather [hbm4b:s0+s19], $0x80, s10, s19, $0xb8;
	[tilespmem:$0x1DF00] =	vst v63  }
0x100: {  	s10 =	sadd.s32 $0x3F00, s9  }
0x101: {  	[spmem:s3] =	stream.indirect.scatter.add.f32 [tilespmem:s20], [sflag:$0x2], $0x80, s10, s19, $0xb8;
	[tilespmem:$0x1DF00] =	vst v63  }
0x102: {  	_ = 	snop  }
0x103: {  	[spmem:s4] =	stream.indirect.scatter.add.f32 [tilespmem:s26], [sflag:$0x3], $0x1, s10, s19, $0xb8;
	[tilespmem:$0x1DF00] =	vst v63  }
0x104: {  	_ =	swait.ge [sflag:s21], $0x2800  }
0x105: {  	[sflag:s21] =	ssyncset.done $0x0  }
0x106: {  	[sflag:s21] =	ssyncadd.s32 $0xFFFFD800  }
0x107: {  	_ =	swait.ge [sflag:s28], $0x2800  }
0x108: {  	[sflag:s28] =	ssyncset.done $0x0  }
0x109: {  	[sflag:s28] =	ssyncadd.s32 $0xFFFFD800  }
0x10a: {  	_ =	swait.ge [sflag:s29], $0x50  }
.Ltmp5:
0x10b: {  	[sflag:s29] =	ssyncset.done $0x0;
	(pc) =	sbr.rel @p1 .LBB2_12-.Ltmp5, $4  }
0x10c: {  	s10 =	sadd.s32 $0x2000, s9;
	[sflag:s29] =	ssyncadd.s32 $0xFFFFFFB0  }
0x10d: {  	[tilespmem:s20], [sflag:$0x1] =	stream.indirect.gather [hbm4b:s0+s19], $0x80, s10, s19, $0xb8;
	[tilespmem:$0x1DF00] =	vst v63  }
0x10e: {  	s9 =	sadd.s32 $0x3F80, s9  }
0x10f: {  	[spmem:s3] =	stream.indirect.scatter.add.f32 [tilespmem:s23], [sflag:$0x2], $0x80, s9, s19, $0xb8;
	[tilespmem:$0x1DF00] =	vst v63  }
0x110: {  	[spmem:s4] =	stream.indirect.scatter.add.f32 [tilespmem:s26], [sflag:$0x3], $0x1, s9, s19, $0xb8;
	[tilespmem:$0x1DF00] =	vst v63  }
0x111: {  	_ =	swait.ge [sflag:s21], $0x2800  }
0x112: {  	[sflag:s21] =	ssyncset.done $0x0  }
0x113: {  	[sflag:s21] =	ssyncadd.s32 $0xFFFFD800  }
0x114: {  	_ =	swait.ge [sflag:s28], $0x2800  }
0x115: {  	[sflag:s28] =	ssyncset.done $0x0  }
0x116: {  	[sflag:s28] =	ssyncadd.s32 $0xFFFFD800  }
0x117: {  	_ =	swait.ge [sflag:s29], $0x50  }
0x118: {  	[sflag:s29] =	ssyncset.done $0x0  }
0x119: {  	[sflag:s29] =	ssyncadd.s32 $0xFFFFFFB0  }
0x11a: {  	[tilespmem:s23], [sflag:$0x1] =	stream.indirect.gather [hbm4b:s0+s19], $0x80, s1, s19, $0xb8;
	[tilespmem:$0x1DF00] =	vst v63  }
0x11b: {  	_ = 	snop  }
0x11c: {  	[spmem:s3] =	stream.indirect.scatter.add.f32 [tilespmem:s20], [sflag:$0x2], $0x80, s17, s19, $0xb8;
	[tilespmem:$0x1DF00] =	vst v63  }
0x11d: {  	_ = 	snop  }
0x11e: {  	[spmem:s4] =	stream.indirect.scatter.add.f32 [tilespmem:s26], [sflag:$0x3], $0x1, s17, s19, $0xb8;
	[tilespmem:$0x1DF00] =	vst v63  }
0x11f: {  	_ =	swait.ge [sflag:s21], $0x2800  }
0x120: {  	[sflag:s21] =	ssyncset.done $0x0  }
0x121: {  	[sflag:s21] =	ssyncadd.s32 $0xFFFFD800  }
0x122: {  	_ =	swait.ge [sflag:s28], $0x2800  }
0x123: {  	[sflag:s28] =	ssyncset.done $0x0  }
0x124: {  	[sflag:s28] =	ssyncadd.s32 $0xFFFFD800  }
0x125: {  	_ =	swait.ge [sflag:s29], $0x50  }
0x126: {  	[sflag:s29] =	ssyncset.done $0x0  }
0x127: {  	[sflag:s29] =	ssyncadd.s32 $0xFFFFFFB0  }
0x128: {  	[spmem:s3] =	stream.indirect.scatter.add.f32 [tilespmem:s23], [sflag:$0x2], $0x80, s7, s19, $0xb8;
	[tilespmem:$0x1DF00] =	vst v63  }
0x129: {  	_ = 	snop  }
0x12a: {  	[spmem:s4] =	stream.indirect.scatter.add.f32 [tilespmem:s26], [sflag:$0x3], $0x1, s7, s19, $0xb8;
	[tilespmem:$0x1DF00] =	vst v63  }
0x12b: {  	_ =	swait.ge [sflag:s28], $0x2800  }
0x12c: {  	[sflag:s28] =	ssyncset.done $0x0  }
0x12d: {  	[sflag:s28] =	ssyncadd.s32 $0xFFFFD800  }
0x12e: {  	_ =	swait.ge [sflag:s29], $0x50  }
0x12f: {  	s8 =	stileid.u32;
	[sflag:s29] =	ssyncset.done $0x0  }
0x130: {  	s8 =	sshll.u32 @!p0 s8, $0x6;
	[sflag:s29] =	ssyncadd.s32 $0xFFFFFFB0  }
0x131: {  	s9 =	simm.s32 @!p0 $0x4;
	s8 =	sor.u32 @!p0 $0x1C04, s8;
	[bflag:$0x0] =	sbarrier.arrive $0xFFFF  }
0x132: {  	[hbm:s12], [sflag:s8] =	dma.local @!p0 [spmem:s24], $0x3E80  }
0x133: {  	s2 =	sadd.s32 $0x1, s2;
	_ =	swait.ge @!p0 [sflag:s9], $0x3E80  }
0x134: {  	p1 =	sne.s32 s2, s14;
	[sflag:s9] =	ssyncset.done @!p0 $0x0  }
.Ltmp6:
0x135: {  	[sflag:s9] =	ssyncadd.s32 @!p0 $0xFFFFC180;
	(pc) =	sbr.rel @p1 .LBB2_1-.Ltmp6, $4  }
0x136: {  	[hbm:s13], [sflag:s8] =	dma.local @!p0 [spmem:s25], $0x80  }
0x137: {  	_ =	swait.ge @!p0 [sflag:s9], $0x80  }
0x138: {  	[sflag:s9] =	ssyncset.done @!p0 $0x0  }
0x139: {  	[sflag:s9] =	ssyncadd.s32 @!p0 $0xFFFFFF80  }
0x13a: {  	_ =	sfence.sel $0x180000  }
0x13b: {  	[bflag:$0x0] =	sbarrier.arrive $0xFFFF  }
0x13c: {  	_ =	strace $0x90000047  }
0x13d: {  	s0 =	stileid.u32;
	[bflag:$0x2] =	sbarrier.arrive $0xFFFF  }
0x13e: {  	p0 =	sne.s32 s0, $0x0;
	s0 =	rddreg [dreg:$0x5]  }
0x13f: {  	s0 =	sadd.s32 @!p0 $0x100000, s0  }
0x140: {  	[sflag:s0] =	ssyncadd.tile.s32 @!p0 $0x1;
	_ =	shalt  }
.Lfunc_end2:
_tile_overlayer_lowered:
.L_overlay_start_2:
0x141: {  	(tag) =	ssettag $0x2  }
0x142: {  	s0 =	rddreg [dreg:$0x0];
	s2 =	stileid.u32  }
0x143: {  	s1 =	rddreg [dreg:$0x1];
	p0 =	sne.s32 s2, $0x0  }
0x144: {  	s3 =	rddreg [dreg:$0x2];
	[bflag:$0x3] =	sbarrier.arrive $0xFFFF;
	s2 =	simm.s32 @!p0 $0x1C04  }
0x145: {  	[timem:s3], [sflag:s2] =	dma.local @!p0 [hbm:s0], s1  }
0x146: {  	s0 =	simm.s32 @!p0 $0x4  }
0x147: {  	_ =	swait.ge @!p0 [sflag:s0], s1  }
0x148: {  	s1 =	ssub.s32 @!p0 $0x0, s1;
	[sflag:s0] =	ssyncset.done @!p0 $0x0  }
0x149: {  	[sflag:s0] =	ssyncadd.s32 @!p0 s1  }
0x14a: {  	[bflag:$0x3] =	sbarrier.arrive $0xFFFF  }
0x14b: {  	_ =	shalt  }

// kernel: kernel.9.cloned.1.call-start
scs
__scs_entry_jumppad:
0x0: {  	(pc) =	sbr.rel $0x88, $3  }
0x1: {  	(tag) =	ssettag $0x0;
	lr =	simm.s32 $0x1  }
0x2: {  	[smem:$0x3F99] =	sst lr;
	_ =	strace $0xD0000000  }
0x3: {  	_ = 	snop  }
0x4: {  	_ = 	snop  }
0x5: {  	_ = 	snop  }
0x6: {  	_ = 	snop  }
0x7: {  	_ = 	snop  }
__scs_overlays_trampoline_lowered:
0x8: {  	[smem:$0x3FA8] =	sst s0  }
0x9: {  	[smem:$0x3FA9] =	sst s1  }
0xa: {  	[smem:$0x3FAA] =	sst s2  }
0xb: {  	[smem:$0x3FAB] =	sst s3  }
0xc: {  	[smem:$0x3FAC] =	sst s4  }
0xd: {  	[smem:$0x3FAD] =	sst s5  }
0xe: {  	[smem:$0x3FAE] =	sst s6  }
0xf: {  	[smem:$0x3FAF] =	sst s7  }
0x10: {  	[smem:$0x3FB0] =	sst s8  }
0x11: {  	[smem:$0x3FB1] =	sst s9;
	s0 =	simm.s32 @!p0 $0x0  }
0x12: {  	s1 =	sld [smem:$0x3F97];
	s0 =	simm.s32 @p0 $0x1  }
0x13: {  	[smem:$0x3FB2] =	sst s0;
	s0 =	simm.s32 @!p1 $0x0  }
0x14: {  	s2 =	sld [smem:$0x3F96];
	s0 =	simm.s32 @p1 $0x1  }
0x15: {  	[smem:$0x3FB3] =	sst s0;
	s0 =	simm.s32 @!p2 $0x0  }
0x16: {  	s3 =	sld [smem:$0x3FDB];
	s0 =	simm.s32 @p2 $0x1  }
0x17: {  	s4 =	simm.s32 $0x1BF5;
	[smem:$0x3FB5] =	sst s0  }
0x18: {  	s0 =	sld [smem:$0x3F98];
	_ =	swait.ge [sflag:s4], $0x0  }
0x19: {  	s7 =	sld [smem:$0x3F99]  }
0x1a: {  	s8 =	sadd.s32 $0xFFFFE003, lr  }
0x1b: {  	s9 =	sadd.s32 $0xFFFFFEF7, lr;
	s5 =	simm.s32 $0xFFFFFFFF;
	p2 =	slt.u32 s8, $0xFFFFF086  }
0x1c: {  	p1 =	slt.u32 s9, $0xF7A;
	s5 =	simm.s32 @!p2 $0x0  }
0x1d: {  	s5 =	simm.s32 @p1 $0x1;
	p0 =	seq.s32 s7, s2  }
0x1e: {  	s7 =	smul.u32 @!p0 $0xF7A, s2;
	p2 =	seq.s32 @!p0 s5, $0x0  }
0x1f: {  	s9 =	smul.u32 $0xF7A, s1;
	s8 =	simm.s32 @!p0 $0x1BF5;
	p2 =	por !p2, p0  }
0x20: {  	[sflag:s8] =	ssyncset.s32 @!p0 $0xFFFFF086;
	s6 =	sadd.s32 @!p0 s3, s7;
	s7 =	simm.s32 @!p0 $0x108  }
0x21: {  	s3 =	sadd.s32 s3, s9;
	s6 =	sadd.s32 @!p0 $0x88, s6;
	s7 =	simm.s32 @p2 $0x1082  }
0x22: {  	[simem:s7], [sflag:s8] =	dma.local @!p0 [hbm:s6], $0xF7A  }
0x23: {  	s9 =	sor.u32 $0xD0000000, s2;
	s6 =	simm.s32 $0x108;
	_ =	swait.ge @!p0 [sflag:s8], $0x0  }
0x24: {  	s3 =	sadd.s32 $0x88, s3;
	s6 =	simm.s32 @!p1 $0x1082;
	[sflag:s4] =	ssyncset.s32 $0xFFFFF086  }
0x25: {  	[simem:s6], [sflag:s4] =	dma.local [hbm:s3], $0xF7A  }
0x26: {  	[smem:$0x3F99] =	sst s1;
	(tag) =	ssettag s2;
	_ =	strace s9  }
0x27: {  	s1 =	sld [smem:$0x3FA9]  }
0x28: {  	s2 =	sld [smem:$0x3FAA]  }
0x29: {  	s4 =	sld [smem:$0x3FAC]  }
0x2a: {  	p0 =	seq.s32 s5, $0x0;
	s5 =	sld [smem:$0x3FAD]  }
0x2b: {  	s6 =	sld [smem:$0x3FAE]  }
0x2c: {  	s7 =	sld [smem:$0x3FAF]  }
0x2d: {  	s3 =	simm.s32 $0x108;
	s8 =	sld [smem:$0x3FB0]  }
0x2e: {  	s3 =	simm.s32 @!p0 $0x1082;
	s9 =	sld [smem:$0x3FB1]  }
0x2f: {  	lr =	sadd.s32 s0, s3;
	s0 =	sld [smem:$0x3FA8]  }
0x30: {  	s3 =	sld [smem:$0x3FAB]  }
0x31: {  	[smem:$0x3FB4] =	sst s10  }
0x32: {  	s10 =	sld [smem:$0x3FB2];
	_ =	sdelay $0x3  }
0x33: {  	p0 =	seq.s32 s10, $0x1;
	s10 =	sld [smem:$0x3FB4];
	_ =	sdelay $0x3  }
0x34: {  	[smem:$0x3FB4] =	sst s10  }
0x35: {  	s10 =	sld [smem:$0x3FB3];
	_ =	sdelay $0x3  }
0x36: {  	p1 =	seq.s32 s10, $0x1;
	s10 =	sld [smem:$0x3FB4];
	_ =	sdelay $0x3  }
0x37: {  	[smem:$0x3FB4] =	sst s10  }
0x38: {  	s10 =	sld [smem:$0x3FB5]  }
0x39: {  	_ = 	snop;
	(pc) =	sbr.ind lr, $3  }
0x3a: {  	_ = 	snop  }
0x3b: {  	_ = 	snop  }
0x3c: {  	p2 =	seq.s32 s10, $0x1;
	s10 =	sld [smem:$0x3FB4]  }
0x3d: {  	_ =	shalt  }
0x3e: {  	_ =	shalt  }
0x3f: {  	_ =	shalt  }
0x40: {  	_ =	shalt  }
0x41: {  	_ =	shalt  }
0x42: {  	_ =	shalt  }
0x43: {  	_ =	shalt  }
0x44: {  	_ =	shalt  }
0x45: {  	_ =	shalt  }
0x46: {  	_ =	shalt  }
0x47: {  	_ =	shalt  }
0x48: {  	_ =	shalt  }
0x49: {  	_ =	shalt  }
0x4a: {  	_ =	shalt  }
0x4b: {  	_ =	shalt  }
0x4c: {  	_ =	shalt  }
0x4d: {  	_ =	shalt  }
0x4e: {  	_ =	shalt  }
0x4f: {  	_ =	shalt  }
0x50: {  	_ =	shalt  }
0x51: {  	_ =	shalt  }
0x52: {  	_ =	shalt  }
0x53: {  	_ =	shalt  }
0x54: {  	_ =	shalt  }
0x55: {  	_ =	shalt  }
0x56: {  	_ =	shalt  }
0x57: {  	_ =	shalt  }
0x58: {  	_ =	shalt  }
0x59: {  	_ =	shalt  }
0x5a: {  	_ =	shalt  }
0x5b: {  	_ =	shalt  }
0x5c: {  	_ =	shalt  }
0x5d: {  	_ =	shalt  }
0x5e: {  	_ =	shalt  }
0x5f: {  	_ =	shalt  }
0x60: {  	_ =	shalt  }
0x61: {  	_ =	shalt  }
0x62: {  	_ =	shalt  }
0x63: {  	_ =	shalt  }
0x64: {  	_ =	shalt  }
0x65: {  	_ =	shalt  }
0x66: {  	_ =	shalt  }
0x67: {  	_ =	shalt  }
0x68: {  	_ =	shalt  }
0x69: {  	_ =	shalt  }
0x6a: {  	_ =	shalt  }
0x6b: {  	_ =	shalt  }
0x6c: {  	_ =	shalt  }
0x6d: {  	_ =	shalt  }
0x6e: {  	_ =	shalt  }
0x6f: {  	_ =	shalt  }
0x70: {  	_ =	shalt  }
0x71: {  	_ =	shalt  }
0x72: {  	_ =	shalt  }
0x73: {  	_ =	shalt  }
0x74: {  	_ =	shalt  }
0x75: {  	_ =	shalt  }
0x76: {  	_ =	shalt  }
0x77: {  	_ =	shalt  }
0x78: {  	_ =	shalt  }
0x79: {  	_ =	shalt  }
0x7a: {  	_ =	shalt  }
0x7b: {  	_ =	shalt  }
0x7c: {  	_ =	shalt  }
0x7d: {  	_ =	shalt  }
0x7e: {  	_ =	shalt  }
0x7f: {  	_ =	shalt  }
0x80: {  	_ =	shalt  }
0x81: {  	_ =	shalt  }
0x82: {  	_ =	shalt  }
0x83: {  	_ =	shalt  }
0x84: {  	_ =	shalt  }
0x85: {  	_ =	shalt  }
0x86: {  	_ =	shalt  }
0x87: {  	_ =	shalt  }
.Lfunc_end0:
.L_simem_size_0:
called_computation.1_lowered:
.L_overlay_start_0:
0x88: {  	s2 =	sld [smem:$0x3FD9]  }
0x89: {  	s3 =	sld [smem:$0x3FFE];
	_ =	sdelay $0x1  }
0x8a: {  	s1 =	srdreg.scid  }
0x8b: {  	s0 =	sand.u32 $0x1, s1  }
0x8c: {  	s17 =	sshll.u32 s0, $0xA;
	s2 =	sadd.s32 s3, s2  }
0x8d: {  	s2 =	sadd.s32 s2, s17  }
0x8e: {  	[smem:$0x3FC0] =	sst s2  }
0x8f: {  	_ = 	snop  }
0x90: {  	s2 =	sld [smem:$0x3FD0];
	(tm) =	ssettm $0x1  }
0x91: {  	s18 =	sld [smem:$0x3FFB];
	_ =	sdelay $0x3  }
0x92: {  	_ =	strace s18  }
0x93: {  	s3 =	sld [smem:$0x3FFC];
	_ =	sdelay $0x3  }
0x94: {  	_ =	strace s3  }
0x95: {  	s3 =	sld [smem:$0x3FFD];
	_ =	sdelay $0x3  }
0x96: {  	_ =	strace s3  }
0x97: {  	_ =	strace $0x8FFFFFFF  }
0x98: {  	s19 =	sld [smem:$0x3FDB];
	_ =	sdelay $0x1  }
0x99: {  	s4 =	simm.s32 $_scs_section_size  }
0x9a: {  	s5 =	simm.s32 $_size__tile_overlayer_lowered;
	s6 =	simm.s32 $_tile_overlayer_lowered  }
0x9b: {  	s22 =	simm.s32 $0x1BFF;
	s21 =	sshll.u32 s6, $0x1;
	s3 =	sadd.s32 s4, s19  }
0x9c: {  	s7 =	simm.s32 $0x0;
	s20 =	sshll.u32 s5, $0x1;
	s5 =	sadd.s32 s21, s3  }
0x9d: {  	[timem:s7], [sflag:s22] =	dma.local [hbm:s5], s20  }
0x9e: {  	_ =	swait.ge [sflag:s22], s20  }
0x9f: {  	s4 =	ssub.s32 $0x0, s20;
	[sflag:s22] =	ssyncset.done $0x0  }
0xa0: {  	[sflag:s22] =	ssyncadd.s32 s4;
	_ =	sdelay $0x1  }
0xa1: {  	s23 =	simm.s32 $0x1B8B  }
0xa2: {  	_ =	swait.ge [sflag:s23], $0x1  }
0xa3: {  	[sflag:s23] =	ssyncset.done $0x0  }
0xa4: {  	s25 =	simm.s32 $0x1B8E;
	s24 =	sld [smem:$0x3FFE];
	[sflag:s23] =	ssyncadd.s32 $0xFFFFFFFF  }
0xa5: {  	s26 =	simm.s32 $execute0_lowered;
	[smem:$0x3FD2] =	sst s25  }
0xa6: {  	s5 =	sshll.u32 s26, $0x1;
	_ =	strace $0x80000049;
	[dreg:$0x1] =	wrdreg $0xFFFFFFFF  }
0xa7: {  	s28 =	simm.s32 $_size_execute0_lowered;
	s3 =	sadd.s32 s3, s5;
	[dreg:$0x0] =	wrdreg $0x0  }
0xa8: {  	s5 =	sshll.u32 s28, $0x1;
	[dreg:$0x2] =	wrdreg s3  }
0xa9: {  	[dreg:$0x3] =	wrdreg s5  }
0xaa: {  	[dreg:$0x4] =	wrdreg $0xC0  }
0xab: {  	_ =	task [dreg:s7], $0x5FFFF  }
0xac: {  	[dreg:$0x1] =	wrdreg $0xFFFFFFFF  }
0xad: {  	[dreg:$0x0] =	wrdreg $0x60  }
0xae: {  	[dreg:$0x2] =	wrdreg s2  }
0xaf: {  	[dreg:$0x3] =	wrdreg s24  }
0xb0: {  	[dreg:$0x4] =	wrdreg $0x98000  }
0xb1: {  	[dreg:$0x5] =	wrdreg $0x9  }
0xb2: {  	_ =	task.clear_ibuf [dreg:s7], $0x6FFFF;
	_ =	strace $0x90000049  }
0xb3: {  	s29 =	simm.s32 $0x9;
	_ =	strace $0x8000004B  }
0xb4: {  	_ =	swait.ge [sflag:s29], $0x1  }
0xb5: {  	[sflag:s29] =	ssyncadd.s32 $0xFFFFFFFF  }
0xb6: {  	_ =	strace $0x9000004B  }
0xb7: {  	_ =	sfence  }
0xb8: {  	s30 =	sld [smem:$0x0];
	_ =	sdelay $0x2  }
0xb9: {  	s31 =	sshll.u32 s1, $0xD;
	s1 =	sshrl.u32 s1, $0x2  }
0xba: {  	s3 =	sand.u32 $0x4000, s31;
	s1 =	sadd.s32 s1, s30  }
0xbb: {  	s0 =	sor.u32 s3, s0;
	s1 =	sshll.u32 s1, $0x11  }
0xbc: {  	s0 =	sor.u32 s1, s0  }
0xbd: {  	s0 =	sadd.s32 $0x8F2B, s0  }
0xbe: {  	[sflag:s0] =	ssyncadd.remote.s32 $0x1  }
0xbf: {  	_ =	sfence.sel $0xFFFF  }
0xc0: {  	[dreg:$0x0] =	wrdreg $0xFFFFFFFF;
	(pc) =	sbr.abs _section_cstart, $3  }
0xc1: {  	[dreg:$0x1] =	wrdreg $0xFFFFFFFF  }
0xc2: {  	_ =	task.clear_ibuf [dreg:s7], $0x2FFFF;
	_ =	strace $0x9FFFFFFF  }
0xc3: {  	(tm) =	ssettm $0x7FFFFFFF  }
tec
execute0_lowered:
.L_overlay_start_1:
0x0: {  	(tag) =	ssettag $0x1  }
0x1: {  	s0 =	rddreg [dreg:$0x0]  }
0x2: {  	s5 =	rddreg [dreg:$0x1];
	s1 =	srdreg.scid  }
0x3: {  	s3 =	rddreg [dreg:$0x2];
	s2 =	stileid.u32  }
0x4: {  	s4 =	simm.s32 $0x0;
	s15 =	simm.s32 $0x50;
	s16 =	simm.s32 $0x4000  }
0x5: {  	s17 =	simm.s32 $0x1;
	s18 =	simm.s32 $0x80;
	s19 =	simm.s32 $0x6800  }
0x6: {  	s20 =	simm.s32 $0x2;
	s21 =	simm.s32 $0x100;
	s22 =	simm.s32 $0x2080  }
0x7: {  	s24 =	simm.s32 $0x0;
	s6 =	sand.u32 $0x1, s1;
	s1 =	rddreg [dreg:$0x3]  }
0x8: {  	s8 =	smul.u32 $0x1F400, s2;
	[smem:$0x7FF] =	sst s4;
	s26 =	sadd.s32 $0x2000, s5  }
0x9: {  	s10 =	sadd.s32 $0x12000, s5;
	s29 =	sshll.u32 s2, $0xC;
	s13 =	smul.u32 $0x7D000, s2  }
0xa: {  	s30 =	sshll.u32 s2, $0x11;
	p0 =	sgt.u32 s2, $0x9;
	s7 =	smul.u32 $0x138800, s6  }
0xb: {  	_ =	strace $0x8000004A;
	s9 =	ssub.s32 $0x2, s6;
	s6 =	sshll.u32 s6, $0xB  }
0xc: {  	s28 =	sshrl.u32 s9, $0x1;
	s31 =	sor.u32 s6, s29;
	s13 =	sshrl.u32 s13, $0x2  }
0xd: {  	s7 =	sadd.s32 s8, s7;
	s12 =	ssub.s32 s9, s28;
	s6 =	sadd.s32 s26, s31  }
.Ltmp0:
0xe: {  	s14 =	sor.u32 $0x400, s31;
	s23 =	sadd.s32 s13, s3;
	(pc) =	sbr.rel .LBB2_1-.Ltmp0, $4  }
0xf: {  	s13 =	simm.s32 $0x3;
	s7 =	sshrl.u32 s7, $0x3;
	s8 =	sadd.s32 s26, s14  }
0x10: {  	s9 =	sadd.s32 s10, s14;
	s14 =	simm.s32 $0x2000;
	s23 =	sshrl.u32 @!p0 s23, $0x3  }
0x11: {  	s11 =	sadd.s32 s7, s5;
	s5 =	sadd.s32 s30, s3;
	s7 =	sadd.s32 s10, s31  }
0x12: {  	v0 =	vimm.f32 $0.0e+00;
	s10 =	sadd.s32 $0x22000, s11;
	s11 =	smax.u32 s12, $0x1;
	s12 =	simm.s32 $0x9000  }
.LBB2_13:
0x13: {  	[spmem:s3] =	stream.indirect.scatter.add.f32 [tilespmem:s19], [sflag:$0x2], $0x80, s28, s15, $0xb8;
	[tilespmem:$0x1D800] =	vst v63  }
0x14: {  	_ =	swait.ge [sflag:s20], $0x2800  }
0x15: {  	[sflag:s20] =	ssyncset.done $0x0  }
0x16: {  	s25 =	sshll.u32 @!p0 s2, $0x6;
	s24 =	sadd.s32 $0x1, s24;
	[sflag:s20] =	ssyncadd.s32 $0xFFFFD800  }
0x17: {  	s25 =	sor.u32 @!p0 $0x1C03, s25;
	p1 =	sne.s32 s24, s11;
	[bflag:$0x0] =	sbarrier.arrive $0xFFFF  }
0x18: {  	[hbm:s10], [sflag:s25] =	dma.local @!p0 [spmem:s23], $0x3E80  }
.Ltmp1:
0x19: {  	_ = 	snop;
	(pc) =	sbr.rel @!p1 .LBB2_14-.Ltmp1, $4  }
0x1a: {  	s25 =	simm.s32 @!p0 $0x3  }
0x1b: {  	_ =	swait.ge @!p0 [sflag:s25], $0x3E80  }
0x1c: {  	[sflag:s25] =	ssyncset.done @!p0 $0x0  }
0x1d: {  	[sflag:s25] =	ssyncadd.s32 @!p0 $0xFFFFC180  }
.LBB2_1:
0x1e: {  	s25 =	simm.s32 $0x0;
	s26 =	simm.s32 $0x200  }
.LBB2_2:
0x1f: {  	p1 =	sne.s32 s26, $0x1E00;
	[tilespmem:s25+$0x9070] =	vst v0  }
0x20: {  	[tilespmem:s25+$0x9000] =	vst v0  }
0x21: {  	[tilespmem:s25+$0x9010] =	vst v0  }
.Ltmp2:
0x22: {  	[tilespmem:s25+$0x9020] =	vst v0;
	(pc) =	sbr.rel @p1 .LBB2_2-.Ltmp2, $4  }
0x23: {  	[tilespmem:s25+$0x9030] =	vst v0  }
0x24: {  	[tilespmem:s25+$0x9040] =	vst v0  }
0x25: {  	[tilespmem:s25+$0x9050] =	vst v0  }
0x26: {  	[tilespmem:s25+$0x9060] =	vst v0;
	s25 =	sshra.s32 s26, $0x2;
	s26 =	sadd.s32 $0x200, s26  }
0x27: {  	[tilespmem:s25+$0x9070] =	vst v0  }
0x28: {  	[tilespmem:s25+$0x9000] =	vst v0  }
0x29: {  	[tilespmem:s25+$0x9010] =	vst v0  }
.Ltmp3:
0x2a: {  	[tilespmem:s25+$0x9020] =	vst v0;
	(pc) =	sbr.rel @p0 .LBB2_7-.Ltmp3, $4  }
0x2b: {  	[tilespmem:s25+$0x9030] =	vst v0  }
0x2c: {  	[tilespmem:s25+$0x9040] =	vst v0  }
0x2d: {  	[tilespmem:s25+$0x9050] =	vst v0  }
0x2e: {  	[tilespmem:s25+$0x9060] =	vst v0  }
0x2f: {  	s25 =	sadd.s32 $0x0, s5  }
0x30: {  	[spmem:s25] =	stream.linear.scatter [tilespmem:s12], [sflag:$0x3], $0x800, $0x38;
	[tilespmem:$0x1D800] =	vst v63  }
0x31: {  	s25 =	simm.s32 $0x2000;
	_ =	swait.ge [sflag:s13], $0x800  }
.LBB2_5:
0x32: {  	s26 =	sshra.s32 s25, $0x2;
	[sflag:s13] =	ssyncset.done $0x0;
	p1 =	sne.s32 s25, $0x7E000  }
.Ltmp4:
0x33: {  	s26 =	sadd.s32 s26, s5;
	[sflag:s13] =	ssyncadd.s32 $0xFFFFF800;
	(pc) =	sbr.rel @p1 .LBB2_5-.Ltmp4, $3  }
0x34: {  	[spmem:s26] =	stream.linear.scatter [tilespmem:s12], [sflag:$0x3], $0x800, $0x38;
	[tilespmem:$0x1D800] =	vst v63  }
0x35: {  	s25 =	sadd.s32 $0x2000, s25;
	_ =	sdelay $0x1  }
0x36: {  	_ =	swait.ge [sflag:s13], $0x800  }
0x37: {  	[sflag:s13] =	ssyncset.done $0x0  }
0x38: {  	[sflag:s13] =	ssyncadd.s32 $0xFFFFF800  }
.LBB2_7:
0x39: {  	[bflag:$0x0] =	sbarrier.arrive $0xFFFF  }
0x3a: {  	[tilespmem:s4], [sflag:$0x3] =	stream.linear.gather [hbm4b:s6+s4], $0x2000, $0x38;
	[tilespmem:$0x1D800] =	vst v63  }
0x3b: {  	_ =	swait.ge [sflag:s13], $0x2000  }
0x3c: {  	[sflag:s13] =	ssyncset.done $0x0  }
0x3d: {  	[sflag:s13] =	ssyncadd.s32 $0xFFFFE000  }
0x3e: {  	[tilespmem:s14], [sflag:$0x3] =	stream.linear.gather [hbm4b:s7+s4], $0x2000, $0x38;
	[tilespmem:$0x1D800] =	vst v63  }
0x3f: {  	_ =	swait.ge [sflag:s13], $0x2000  }
0x40: {  	[sflag:s13] =	ssyncset.done $0x0  }
0x41: {  	[sflag:s13] =	ssyncadd.s32 $0xFFFFE000  }
0x42: {  	[tilespmem:s16], [sflag:$0x1] =	stream.indirect.gather [hbm4b:s0+s15], $0x80, s4, s15, $0xb8;
	[tilespmem:$0x1D800] =	vst v63  }
0x43: {  	_ =	swait.ge [sflag:s17], $0x2800  }
0x44: {  	[sflag:s17] =	ssyncset.done $0x0  }
0x45: {  	[sflag:s17] =	ssyncadd.s32 $0xFFFFD800  }
0x46: {  	[tilespmem:s19], [sflag:$0x1] =	stream.indirect.gather [hbm4b:s0+s15], $0x80, s18, s15, $0xb8;
	[tilespmem:$0x1D800] =	vst v63  }
0x47: {  	_ = 	snop  }
0x48: {  	[spmem:s3] =	stream.indirect.scatter.add.f32 [tilespmem:s16], [sflag:$0x2], $0x80, s14, s15, $0xb8;
	[tilespmem:$0x1D800] =	vst v63  }
0x49: {  	_ =	swait.ge [sflag:s17], $0x2800  }
0x4a: {  	[sflag:s17] =	ssyncset.done $0x0  }
0x4b: {  	[sflag:s17] =	ssyncadd.s32 $0xFFFFD800  }
0x4c: {  	_ =	swait.ge [sflag:s20], $0x2800  }
0x4d: {  	[sflag:s20] =	ssyncset.done $0x0  }
0x4e: {  	[sflag:s20] =	ssyncadd.s32 $0xFFFFD800  }
0x4f: {  	[tilespmem:s16], [sflag:$0x1] =	stream.indirect.gather [hbm4b:s0+s15], $0x80, s21, s15, $0xb8;
	[tilespmem:$0x1D800] =	vst v63  }
0x50: {  	s25 =	simm.s32 $0xFFFF8800  }
0x51: {  	[spmem:s3] =	stream.indirect.scatter.add.f32 [tilespmem:s19], [sflag:$0x2], $0x80, s22, s15, $0xb8;
	[tilespmem:$0x1D800] =	vst v63  }
.LBB2_8:
0x52: {  	_ =	swait.ge [sflag:s17], $0x2800  }
0x53: {  	[sflag:s17] =	ssyncset.done $0x0  }
0x54: {  	[sflag:s17] =	ssyncadd.s32 $0xFFFFD800  }
0x55: {  	_ =	swait.ge [sflag:s20], $0x2800  }
0x56: {  	s26 =	sshra.s32 s25, $0x2;
	[sflag:s20] =	ssyncset.done $0x0  }
0x57: {  	s28 =	sadd.s32 $0x1F80, s26;
	[sflag:s20] =	ssyncadd.s32 $0xFFFFD800  }
0x58: {  	[tilespmem:s19], [sflag:$0x1] =	stream.indirect.gather [hbm4b:s0+s15], $0x80, s28, s15, $0xb8;
	[tilespmem:$0x1D800] =	vst v63  }
0x59: {  	s28 =	sadd.s32 $0x3F00, s26  }
0x5a: {  	[spmem:s3] =	stream.indirect.scatter.add.f32 [tilespmem:s16], [sflag:$0x2], $0x80, s28, s15, $0xb8;
	[tilespmem:$0x1D800] =	vst v63  }
0x5b: {  	p1 =	seq.s32 s25, $0x0;
	_ =	swait.ge [sflag:s17], $0x2800  }
.Ltmp5:
0x5c: {  	[sflag:s17] =	ssyncset.done $0x0;
	(pc) =	sbr.rel @p1 .LBB2_10-.Ltmp5, $4  }
0x5d: {  	[sflag:s17] =	ssyncadd.s32 $0xFFFFD800  }
0x5e: {  	_ =	swait.ge [sflag:s20], $0x2800  }
0x5f: {  	[sflag:s20] =	ssyncset.done $0x0  }
0x60: {  	s28 =	sadd.s32 $0x3F80, s26;
	[sflag:s20] =	ssyncadd.s32 $0xFFFFD800  }
.Ltmp6:
0x61: {  	(pc) =	sbr.rel .LBB2_8-.Ltmp6, $4  }
0x62: {  	s26 =	sadd.s32 $0x2000, s26  }
0x63: {  	[tilespmem:s16], [sflag:$0x1] =	stream.indirect.gather [hbm4b:s0+s15], $0x80, s26, s15, $0xb8;
	[tilespmem:$0x1D800] =	vst v63  }
0x64: {  	s25 =	sadd.s32 $0x400, s25  }
0x65: {  	[spmem:s3] =	stream.indirect.scatter.add.f32 [tilespmem:s19], [sflag:$0x2], $0x80, s28, s15, $0xb8;
	[tilespmem:$0x1D800] =	vst v63  }
.LBB2_10:
0x66: {  	[spmem:s3] =	stream.indirect.scatter.add.f32 [tilespmem:s19], [sflag:$0x2], $0x80, s28, s15, $0xb8;
	[tilespmem:$0x1D800] =	vst v63  }
0x67: {  	_ =	swait.ge [sflag:s20], $0x2800  }
0x68: {  	[sflag:s20] =	ssyncset.done $0x0  }
0x69: {  	[sflag:s20] =	ssyncadd.s32 $0xFFFFD800  }
0x6a: {  	[tilespmem:s4], [sflag:$0x3] =	stream.linear.gather [hbm4b:s8+s4], $0x2000, $0x38;
	[tilespmem:$0x1D800] =	vst v63  }
0x6b: {  	_ =	swait.ge [sflag:s13], $0x2000  }
0x6c: {  	[sflag:s13] =	ssyncset.done $0x0  }
0x6d: {  	[sflag:s13] =	ssyncadd.s32 $0xFFFFE000  }
0x6e: {  	[tilespmem:s14], [sflag:$0x3] =	stream.linear.gather [hbm4b:s9+s4], $0x2000, $0x38;
	[tilespmem:$0x1D800] =	vst v63  }
0x6f: {  	_ =	swait.ge [sflag:s13], $0x2000  }
0x70: {  	[sflag:s13] =	ssyncset.done $0x0  }
0x71: {  	[sflag:s13] =	ssyncadd.s32 $0xFFFFE000  }
0x72: {  	[tilespmem:s16], [sflag:$0x1] =	stream.indirect.gather [hbm4b:s0+s15], $0x80, s4, s15, $0xb8;
	[tilespmem:$0x1D800] =	vst v63  }
0x73: {  	_ =	swait.ge [sflag:s17], $0x2800  }
0x74: {  	[sflag:s17] =	ssyncset.done $0x0  }
0x75: {  	[sflag:s17] =	ssyncadd.s32 $0xFFFFD800  }
0x76: {  	[tilespmem:s19], [sflag:$0x1] =	stream.indirect.gather [hbm4b:s0+s15], $0x80, s18, s15, $0xb8;
	[tilespmem:$0x1D800] =	vst v63  }
0x77: {  	_ = 	snop  }
0x78: {  	[spmem:s3] =	stream.indirect.scatter.add.f32 [tilespmem:s16], [sflag:$0x2], $0x80, s14, s15, $0xb8;
	[tilespmem:$0x1D800] =	vst v63  }
0x79: {  	_ =	swait.ge [sflag:s17], $0x2800  }
0x7a: {  	[sflag:s17] =	ssyncset.done $0x0  }
0x7b: {  	[sflag:s17] =	ssyncadd.s32 $0xFFFFD800  }
0x7c: {  	_ =	swait.ge [sflag:s20], $0x2800  }
0x7d: {  	[sflag:s20] =	ssyncset.done $0x0  }
0x7e: {  	[sflag:s20] =	ssyncadd.s32 $0xFFFFD800  }
0x7f: {  	[tilespmem:s16], [sflag:$0x1] =	stream.indirect.gather [hbm4b:s0+s15], $0x80, s21, s15, $0xb8;
	[tilespmem:$0x1D800] =	vst v63  }
0x80: {  	s25 =	simm.s32 $0xFFFF8800  }
0x81: {  	[spmem:s3] =	stream.indirect.scatter.add.f32 [tilespmem:s19], [sflag:$0x2], $0x80, s22, s15, $0xb8;
	[tilespmem:$0x1D800] =	vst v63  }
.LBB2_11:
0x82: {  	_ =	swait.ge [sflag:s17], $0x2800  }
0x83: {  	[sflag:s17] =	ssyncset.done $0x0  }
0x84: {  	[sflag:s17] =	ssyncadd.s32 $0xFFFFD800  }
0x85: {  	_ =	swait.ge [sflag:s20], $0x2800  }
0x86: {  	s26 =	sshra.s32 s25, $0x2;
	[sflag:s20] =	ssyncset.done $0x0  }
0x87: {  	s28 =	sadd.s32 $0x1F80, s26;
	[sflag:s20] =	ssyncadd.s32 $0xFFFFD800  }
0x88: {  	[tilespmem:s19], [sflag:$0x1] =	stream.indirect.gather [hbm4b:s0+s15], $0x80, s28, s15, $0xb8;
	[tilespmem:$0x1D800] =	vst v63  }
0x89: {  	s28 =	sadd.s32 $0x3F00, s26  }
0x8a: {  	[spmem:s3] =	stream.indirect.scatter.add.f32 [tilespmem:s16], [sflag:$0x2], $0x80, s28, s15, $0xb8;
	[tilespmem:$0x1D800] =	vst v63  }
0x8b: {  	p1 =	seq.s32 s25, $0x0;
	_ =	swait.ge [sflag:s17], $0x2800  }
.Ltmp7:
0x8c: {  	[sflag:s17] =	ssyncset.done $0x0;
	(pc) =	sbr.rel @p1 .LBB2_13-.Ltmp7, $4  }
0x8d: {  	[sflag:s17] =	ssyncadd.s32 $0xFFFFD800  }
0x8e: {  	_ =	swait.ge [sflag:s20], $0x2800  }
0x8f: {  	[sflag:s20] =	ssyncset.done $0x0  }
0x90: {  	s28 =	sadd.s32 $0x3F80, s26;
	[sflag:s20] =	ssyncadd.s32 $0xFFFFD800  }
.Ltmp8:
0x91: {  	(pc) =	sbr.rel .LBB2_11-.Ltmp8, $4  }
0x92: {  	s26 =	sadd.s32 $0x2000, s26  }
0x93: {  	[tilespmem:s16], [sflag:$0x1] =	stream.indirect.gather [hbm4b:s0+s15], $0x80, s26, s15, $0xb8;
	[tilespmem:$0x1D800] =	vst v63  }
0x94: {  	s25 =	sadd.s32 $0x400, s25  }
0x95: {  	[spmem:s3] =	stream.indirect.scatter.add.f32 [tilespmem:s19], [sflag:$0x2], $0x80, s28, s15, $0xb8;
	[tilespmem:$0x1D800] =	vst v63  }
.LBB2_14:
0x96: {  	_ =	sfence.sel $0x180000  }
0x97: {  	[bflag:$0x0] =	sbarrier.arrive $0xFFFF  }
0x98: {  	p0 =	sne.s32 s2, $0x0;
	_ =	strace $0x9000004A  }
0x99: {  	s0 =	sadd.s32 @!p0 $0x100000, s1;
	[bflag:$0x2] =	sbarrier.arrive $0xFFFF  }
0x9a: {  	[sflag:s0] =	ssyncadd.tile.s32 @!p0 $0x1;
	_ =	shalt  }
.Lfunc_end2:
_tile_overlayer_lowered:
.L_overlay_start_2:
0x9b: {  	(tag) =	ssettag $0x2  }
0x9c: {  	s0 =	rddreg [dreg:$0x0];
	s2 =	stileid.u32  }
0x9d: {  	s1 =	rddreg [dreg:$0x1];
	p0 =	sne.s32 s2, $0x0  }
0x9e: {  	s3 =	rddreg [dreg:$0x2];
	[bflag:$0x3] =	sbarrier.arrive $0xFFFF;
	s2 =	simm.s32 @!p0 $0x1C03  }
0x9f: {  	[timem:s3], [sflag:s2] =	dma.local @!p0 [hbm:s0], s1  }
0xa0: {  	s0 =	simm.s32 @!p0 $0x3  }
0xa1: {  	_ =	swait.ge @!p0 [sflag:s0], s1  }
0xa2: {  	s1 =	ssub.s32 @!p0 $0x0, s1;
	[sflag:s0] =	ssyncset.done @!p0 $0x0  }
0xa3: {  	[sflag:s0] =	ssyncadd.s32 @!p0 s1  }
0xa4: {  	[bflag:$0x3] =	sbarrier.arrive $0xFFFF  }
0xa5: {  	_ =	shalt  }

</sc_bundles>
